<compile_context>
chip_gen: v7x
topology: tpu7x:2x2x1
jax: 0.10.2.dev20260603
libtpu: 0.0.44.dev20260713+nightly
codegen_flags: <defaults>
</compile_context>

<pallas_src>
import functools
import numpy as np
import jax
import jax.numpy as jnp
from jax import lax
from jax.experimental import pallas as pl
from jax.experimental.pallas import tpu as pltpu
from jax.experimental.pallas import tpu_sc as plsc

_B, _S = 1024, 200
_SP = 256
_BB = 256
_UNROLL = 64
_NC, _NS, _L = 2, 16, 16
_RPW = _B // (_NC * _NS)

_LOG2 = float(np.log(2))


def _decode_kernel(W_ref, b_ref, T_ref, C_ref, lp_ref, rk_ref, av_ref):
    T = T_ref[...]
    C = C_ref[...]
    D = T

    def q16(x):
        return x.astype(jnp.bfloat16).astype(jnp.float32)

    feats = [C / T, D / T, (T - C) / 1000.0, (T - D) / 1000.0,
             jnp.log(T) / _LOG2, jnp.log(C / _LOG2), jnp.log(D / _LOG2),
             T / 1000.0, C / 1000.0, D / 1000.0]
    p = [q16(feats[k]) * W_ref[k] for k in range(10)]
    while len(p) > 1:
        p = [p[i] + p[i + 1] if i + 1 < len(p) else p[i]
             for i in range(0, len(p), 2)]
    s = p[0] + b_ref[0]

    lane = jax.lax.broadcasted_iota(jnp.int32, (_BB, _SP), 1)
    valid = lane < _S
    s = jnp.where(valid, s, -jnp.inf)

    def pair_step(k, carry):
        rank, q = carry
        for u in range(_UNROLL):
            d = k * _UNROLL + u
            rolled = pltpu.roll(s, d, axis=1)
            jlt = lane >= d
            beats = (rolled > s) | ((rolled == s) & jlt)
            rank = rank + beats.astype(jnp.int32)
            q = q + jnp.where(beats, 0.0, jnp.exp(rolled - s))
        return rank, q

    rank0 = jnp.full((_BB, _SP), -1, jnp.int32)
    q0 = jnp.zeros((_BB, _SP), jnp.float32)
    rank, q = jax.lax.fori_loop(
        0, _SP // _UNROLL, pair_step, (rank0, q0), unroll=False)

    logp = -jnp.log(1.0 + q)

    finite = valid & (s > -1e8)
    nf = jnp.sum(jnp.where(finite, 1, 0), axis=1, keepdims=True)
    mfi = jnp.min(jnp.where(finite, lane, _SP * 4), axis=1, keepdims=True)
    degen = s < -1e8
    logp = jnp.where(degen, -jnp.log(nf.astype(jnp.float32)), logp)
    act_val = jnp.where(degen, mfi, lane)

    lp_ref[...] = logp
    rk_ref[...] = rank
    av_ref[...] = act_val


def _scatter_body(lp_hbm, rk_hbm, av_hbm, probs_hbm, acts_hbm,
                  lp_v, rk_v, av_v, op_v, oa_v):
    wid = lax.axis_index("s") * _NC + lax.axis_index("c")
    base = wid * _RPW
    pltpu.sync_copy(lp_hbm.at[pl.ds(base, _RPW)], lp_v)
    pltpu.sync_copy(rk_hbm.at[pl.ds(base, _RPW)], rk_v)
    pltpu.sync_copy(av_hbm.at[pl.ds(base, _RPW)], av_v)

    def row(r, carry):
        rr = jnp.full((_L,), r, jnp.int32)
        for ch in range(_SP // _L):
            sl = pl.ds(ch * _L, _L)
            idx = rk_v[r, sl]
            plsc.store_scatter(op_v, [rr, idx], lp_v[r, sl])
            plsc.store_scatter(oa_v, [rr, idx], av_v[r, sl])
        return carry
    lax.fori_loop(0, _RPW, row, 0)

    pltpu.sync_copy(op_v, probs_hbm.at[pl.ds(base, _RPW)])
    pltpu.sync_copy(oa_v, acts_hbm.at[pl.ds(base, _RPW)])


def _bf16_rne(w):
    v = jax.lax.bitcast_convert_type(w, jnp.int32)
    r = v + 0x7FFF + ((v >> 16) & 1)
    r = jnp.where(jnp.isnan(w) | jnp.isinf(w), v, r)
    return jax.lax.bitcast_convert_type(
        r & jnp.int32(-65536), jnp.float32)


def kernel(inputs, argmax, get_reward, W, b):
    T0 = inputs[:, :, 0]
    C0 = inputs[:, :, 1]
    Wq = _bf16_rne(W)
    Tp = jnp.pad(T0, ((0, 0), (0, _SP - _S)), constant_values=1.0)
    Cp = jnp.pad(C0, ((0, 0), (0, _SP - _S)), constant_values=1.0)

    lp, rk, av = pl.pallas_call(
        _decode_kernel,
        grid=(_B // _BB,),
        in_specs=[
            pl.BlockSpec(memory_space=pltpu.SMEM),
            pl.BlockSpec(memory_space=pltpu.SMEM),
            pl.BlockSpec((_BB, _SP), lambda g: (g, 0)),
            pl.BlockSpec((_BB, _SP), lambda g: (g, 0)),
        ],
        out_specs=(
            pl.BlockSpec((_BB, _SP), lambda g: (g, 0)),
            pl.BlockSpec((_BB, _SP), lambda g: (g, 0)),
            pl.BlockSpec((_BB, _SP), lambda g: (g, 0)),
        ),
        out_shape=(
            jax.ShapeDtypeStruct((_B, _SP), jnp.float32),
            jax.ShapeDtypeStruct((_B, _SP), jnp.int32),
            jax.ShapeDtypeStruct((_B, _SP), jnp.int32),
        ),
        compiler_params=pltpu.CompilerParams(
            dimension_semantics=("parallel",),
        ),
    )(Wq, b, Tp, Cp)

    mesh = plsc.VectorSubcoreMesh(
        core_axis_name="c", subcore_axis_name="s",
        num_cores=_NC, num_subcores=_NS)
    scatter = functools.partial(
        pl.kernel, mesh=mesh,
        compiler_params=pltpu.CompilerParams(
            use_tc_tiling_on_sc=False, needs_layout_passes=False),
        out_type=(
            jax.ShapeDtypeStruct((_B, _SP), jnp.float32),
            jax.ShapeDtypeStruct((_B, _SP), jnp.int32),
        ),
        scratch_types=[
            pltpu.VMEM((_RPW, _SP), jnp.float32),
            pltpu.VMEM((_RPW, _SP), jnp.int32),
            pltpu.VMEM((_RPW, _SP), jnp.int32),
            pltpu.VMEM((_RPW, _SP), jnp.float32),
            pltpu.VMEM((_RPW, _SP), jnp.int32),
        ],
    )(_scatter_body)
    probs, acts = scatter(lp, rk, av)

    return probs[:, :_S], acts[:, :_S]

# --- scband reference (transcript-rebuilt; emitter-appended) ---
"""Pipeline reference for scband-linear-rlsolver-2035814498409 (READ-ONLY COPY).

The authoritative reference and input builder live on the scoring server;
editing this copy changes nothing except your own understanding.
"""

import jax, jax.numpy as jnp
import numpy as np

B, S = 1024, 200

def setup_inputs(seed: int = 0) -> dict:
    key = jax.random.key(seed)
    k1, k2, k3 = jax.random.split(key, 3)
    inputs = jax.random.uniform(k1, (B, S, 3), dtype=jnp.float32)
    W = jax.random.normal(k2, (10,), dtype=jnp.float32) * 0.1
    b = jax.random.normal(k3, (1,), dtype=jnp.float32) * 0.1
    return {"inputs": inputs, "argmax": 1, "get_reward": 0, "W": W, "b": b}

def reference(inputs, argmax, get_reward, W, b):
    # input_transform (use_deadline=False): inputs[:,:,2] = inputs[:,:,0]
    T0 = inputs[:, :, 0]
    x = inputs.at[:, :, 2].set(T0)
    T = x[:, :, 0]; C = x[:, :, 1]; D = x[:, :, 2]
    div = jnp.stack([
        C / T,
        D / T,
        (T - C) / 1000.0,
        (T - D) / 1000.0,
        jnp.log(T) / np.log(2),
        jnp.log(C / np.log(2)),
        jnp.log(D / np.log(2)),
    ], axis=-1)
    tt = x / 1000.0
    feats = jnp.concatenate([div, tt], axis=-1)  # [B, S, 10]
    # actor pointer: linear score is constant across decode steps; only mask changes
    score_base = feats @ W + b[0]  # [B, S]
    batch, seq = score_base.shape
    rows = jnp.arange(batch)

    def step(mask, _):
        score = jnp.where(mask, -1e8, score_base)
        prob = jax.nn.softmax(score, axis=-1)
        chosen = jnp.argmax(prob, axis=-1)  # argmax=True path (deterministic)
        logp = jnp.log(jnp.take_along_axis(prob, chosen[:, None], axis=1)[:, 0])
        mask = mask.at[rows, chosen].set(True)
        return mask, (logp, chosen)

    mask0 = jnp.zeros((batch, seq), dtype=bool)
    _, (logps, chosens) = jax.lax.scan(step, mask0, xs=None, length=seq)
    probs_out = jnp.transpose(logps)      # [B, S] stacked along dim=1
    actions_out = jnp.transpose(chosens)  # [B, S]
    # get_reward is falsy -> return (probs, actions)
    return (probs_out, actions_out)

if __name__ == "__main__":
    import jax
    _d = setup_inputs()
    print(jax.jit(kernel)(*tuple(_d.values())))

</pallas_src>

<mosaic_0001>
#map = affine_map<(d0, d1) -> (0, 0)>
module attributes {stable_mosaic.version = 14 : i64} {
  func.func @_scatter_body(%arg0: i32, %arg1: i32, %arg2: memref<1024x256xf32, #tpu.memory_space<hbm>>, %arg3: memref<1024x256xi32, #tpu.memory_space<hbm>>, %arg4: memref<1024x256xi32, #tpu.memory_space<hbm>>, %arg5: memref<1024x256xf32, #tpu.memory_space<hbm>>, %arg6: memref<1024x256xi32, #tpu.memory_space<hbm>>, %arg7: memref<32x256xf32, #tpu.memory_space<vmem>>, %arg8: memref<32x256xi32, #tpu.memory_space<vmem>>, %arg9: memref<32x256xi32, #tpu.memory_space<vmem>>, %arg10: memref<32x256xf32, #tpu.memory_space<vmem>>, %arg11: memref<32x256xi32, #tpu.memory_space<vmem>>) attributes {dimension_semantics = [#tpu.dimension_semantics<core_parallel>, #tpu.dimension_semantics<subcore_parallel>], iteration_bounds = array<i64: 2, 16>, scalar_prefetch = 0 : i64, scratch_operands = 5 : i64, tpu.core_type = #tpu.core_type<sc_vector_subcore>, window_params = [{transform_indices = #map}, {transform_indices = #map}, {transform_indices = #map}, {transform_indices = #map}, {transform_indices = #map}]} {
    %mul3A = arith.constant 2 : i32
    %mul3A_0 = arith.muli %arg1, %mul3A : i32
    %add3A = arith.addi %mul3A_0, %arg0 : i32
    %mul3A_1 = arith.constant 32 : i32
    %mul3A_2 = arith.muli %add3A, %mul3A_1 : i32
    "tpu.region"() ({
      %run_scoped3A = tpu.sem_alloc : memref<!tpu.dma_semaphore, #tpu.memory_space<semaphore_mem>>
      %dma_start3A = arith.constant 0 : i32
      %dma_start3A_8 = tpu.memref_slice %arg2[%mul3A_2, %dma_start3A] : memref<1024x256xf32, #tpu.memory_space<hbm>> -> memref<32x256xf32, #tpu.memory_space<hbm>>
      %dma_start3A_9 = arith.constant 0 : i32
      %dma_start3A_10 = tpu.memref_slice %arg2[%mul3A_2, %dma_start3A_9] : memref<1024x256xf32, #tpu.memory_space<hbm>> -> memref<32x256xf32, #tpu.memory_space<hbm>>
      tpu.enqueue_dma source(%dma_start3A_10 : memref<32x256xf32, #tpu.memory_space<hbm>>) target(%arg7 : memref<32x256xf32, #tpu.memory_space<vmem>>) target_semaphore(%run_scoped3A : memref<!tpu.dma_semaphore, #tpu.memory_space<semaphore_mem>>)
      %dma_wait3A = arith.constant 0 : i32
      %dma_wait3A_11 = tpu.memref_slice %arg2[%mul3A_2, %dma_wait3A] : memref<1024x256xf32, #tpu.memory_space<hbm>> -> memref<32x256xf32, #tpu.memory_space<hbm>>
      %dma_wait3A_12 = arith.constant 0 : i32
      %dma_wait3A_13 = tpu.memref_slice %arg2[%mul3A_2, %dma_wait3A_12] : memref<1024x256xf32, #tpu.memory_space<hbm>> -> memref<32x256xf32, #tpu.memory_space<hbm>>
      tpu.wait_dma2 semaphore(%run_scoped3A : memref<!tpu.dma_semaphore, #tpu.memory_space<semaphore_mem>>) src(%dma_wait3A_13 : memref<32x256xf32, #tpu.memory_space<hbm>>) dst(%arg7 : memref<32x256xf32, #tpu.memory_space<vmem>>)
      tpu.yield
    }) : () -> ()
    "tpu.region"() ({
      %run_scoped3A = tpu.sem_alloc : memref<!tpu.dma_semaphore, #tpu.memory_space<semaphore_mem>>
      %dma_start3A = arith.constant 0 : i32
      %dma_start3A_8 = tpu.memref_slice %arg3[%mul3A_2, %dma_start3A] : memref<1024x256xi32, #tpu.memory_space<hbm>> -> memref<32x256xi32, #tpu.memory_space<hbm>>
      %dma_start3A_9 = arith.constant 0 : i32
      %dma_start3A_10 = tpu.memref_slice %arg3[%mul3A_2, %dma_start3A_9] : memref<1024x256xi32, #tpu.memory_space<hbm>> -> memref<32x256xi32, #tpu.memory_space<hbm>>
      tpu.enqueue_dma source(%dma_start3A_10 : memref<32x256xi32, #tpu.memory_space<hbm>>) target(%arg8 : memref<32x256xi32, #tpu.memory_space<vmem>>) target_semaphore(%run_scoped3A : memref<!tpu.dma_semaphore, #tpu.memory_space<semaphore_mem>>)
      %dma_wait3A = arith.constant 0 : i32
      %dma_wait3A_11 = tpu.memref_slice %arg3[%mul3A_2, %dma_wait3A] : memref<1024x256xi32, #tpu.memory_space<hbm>> -> memref<32x256xi32, #tpu.memory_space<hbm>>
      %dma_wait3A_12 = arith.constant 0 : i32
      %dma_wait3A_13 = tpu.memref_slice %arg3[%mul3A_2, %dma_wait3A_12] : memref<1024x256xi32, #tpu.memory_space<hbm>> -> memref<32x256xi32, #tpu.memory_space<hbm>>
      tpu.wait_dma2 semaphore(%run_scoped3A : memref<!tpu.dma_semaphore, #tpu.memory_space<semaphore_mem>>) src(%dma_wait3A_13 : memref<32x256xi32, #tpu.memory_space<hbm>>) dst(%arg8 : memref<32x256xi32, #tpu.memory_space<vmem>>)
      tpu.yield
    }) : () -> ()
    "tpu.region"() ({
      %run_scoped3A = tpu.sem_alloc : memref<!tpu.dma_semaphore, #tpu.memory_space<semaphore_mem>>
      %dma_start3A = arith.constant 0 : i32
      %dma_start3A_8 = tpu.memref_slice %arg4[%mul3A_2, %dma_start3A] : memref<1024x256xi32, #tpu.memory_space<hbm>> -> memref<32x256xi32, #tpu.memory_space<hbm>>
      %dma_start3A_9 = arith.constant 0 : i32
      %dma_start3A_10 = tpu.memref_slice %arg4[%mul3A_2, %dma_start3A_9] : memref<1024x256xi32, #tpu.memory_space<hbm>> -> memref<32x256xi32, #tpu.memory_space<hbm>>
      tpu.enqueue_dma source(%dma_start3A_10 : memref<32x256xi32, #tpu.memory_space<hbm>>) target(%arg9 : memref<32x256xi32, #tpu.memory_space<vmem>>) target_semaphore(%run_scoped3A : memref<!tpu.dma_semaphore, #tpu.memory_space<semaphore_mem>>)
      %dma_wait3A = arith.constant 0 : i32
      %dma_wait3A_11 = tpu.memref_slice %arg4[%mul3A_2, %dma_wait3A] : memref<1024x256xi32, #tpu.memory_space<hbm>> -> memref<32x256xi32, #tpu.memory_space<hbm>>
      %dma_wait3A_12 = arith.constant 0 : i32
      %dma_wait3A_13 = tpu.memref_slice %arg4[%mul3A_2, %dma_wait3A_12] : memref<1024x256xi32, #tpu.memory_space<hbm>> -> memref<32x256xi32, #tpu.memory_space<hbm>>
      tpu.wait_dma2 semaphore(%run_scoped3A : memref<!tpu.dma_semaphore, #tpu.memory_space<semaphore_mem>>) src(%dma_wait3A_13 : memref<32x256xi32, #tpu.memory_space<hbm>>) dst(%arg9 : memref<32x256xi32, #tpu.memory_space<vmem>>)
      tpu.yield
    }) : () -> ()
    %scan3A = arith.constant 0 : i32
    %scan3A_3 = arith.constant 0 : i32
    %scan3A_4 = arith.constant 32 : i32
    %scan3A_5 = arith.addi %scan3A_3, %scan3A_4 : i32
    %scan3A_6 = arith.constant 1 : i32
    scf.for %scan3A_8 = %scan3A_3 to %scan3A_5 step %scan3A_6  : i32 {
      %broadcast_in_dim3A = vector.broadcast %scan3A_8 : i32 to vector<16xi32>
      %get3A = arith.index_cast %scan3A_8 : i32 to index
      %get3A_9 = arith.constant 0 : index
      %get3A_10 = tpu.vector_load %arg8[%get3A, %get3A_9] {strides = array<i32>} : memref<32x256xi32, #tpu.memory_space<vmem>>, vector<16xi32>,
      %get3A_11 = arith.index_cast %scan3A_8 : i32 to index
      %get3A_12 = arith.constant 0 : index
      %get3A_13 = tpu.vector_load %arg7[%get3A_11, %get3A_12] {strides = array<i32>} : memref<32x256xf32, #tpu.memory_space<vmem>>, vector<16xf32>,
      tpu.vector_store_idx %arg10[%broadcast_in_dim3A, %get3A_10], %get3A_13 : memref<32x256xf32, #tpu.memory_space<vmem>>[vector<16xi32>, vector<16xi32>], vector<16xf32>,
      %get3A_14 = arith.index_cast %scan3A_8 : i32 to index
      %get3A_15 = arith.constant 0 : index
      %get3A_16 = tpu.vector_load %arg9[%get3A_14, %get3A_15] {strides = array<i32>} : memref<32x256xi32, #tpu.memory_space<vmem>>, vector<16xi32>,
      tpu.vector_store_idx %arg11[%broadcast_in_dim3A, %get3A_10], %get3A_16 : memref<32x256xi32, #tpu.memory_space<vmem>>[vector<16xi32>, vector<16xi32>], vector<16xi32>,
      %get3A_17 = arith.index_cast %scan3A_8 : i32 to index
      %get3A_18 = arith.constant 16 : index
      %get3A_19 = tpu.vector_load %arg8[%get3A_17, %get3A_18] {strides = array<i32>} : memref<32x256xi32, #tpu.memory_space<vmem>>, vector<16xi32>,
      %get3A_20 = arith.index_cast %scan3A_8 : i32 to index
      %get3A_21 = arith.constant 16 : index
      %get3A_22 = tpu.vector_load %arg7[%get3A_20, %get3A_21] {strides = array<i32>} : memref<32x256xf32, #tpu.memory_space<vmem>>, vector<16xf32>,
      tpu.vector_store_idx %arg10[%broadcast_in_dim3A, %get3A_19], %get3A_22 : memref<32x256xf32, #tpu.memory_space<vmem>>[vector<16xi32>, vector<16xi32>], vector<16xf32>,
      %get3A_23 = arith.index_cast %scan3A_8 : i32 to index
      %get3A_24 = arith.constant 16 : index
      %get3A_25 = tpu.vector_load %arg9[%get3A_23, %get3A_24] {strides = array<i32>} : memref<32x256xi32, #tpu.memory_space<vmem>>, vector<16xi32>,
      tpu.vector_store_idx %arg11[%broadcast_in_dim3A, %get3A_19], %get3A_25 : memref<32x256xi32, #tpu.memory_space<vmem>>[vector<16xi32>, vector<16xi32>], vector<16xi32>,
      %get3A_26 = arith.index_cast %scan3A_8 : i32 to index
      %get3A_27 = arith.constant 32 : index
      %get3A_28 = tpu.vector_load %arg8[%get3A_26, %get3A_27] {strides = array<i32>} : memref<32x256xi32, #tpu.memory_space<vmem>>, vector<16xi32>,
      %get3A_29 = arith.index_cast %scan3A_8 : i32 to index
      %get3A_30 = arith.constant 32 : index
      %get3A_31 = tpu.vector_load %arg7[%get3A_29, %get3A_30] {strides = array<i32>} : memref<32x256xf32, #tpu.memory_space<vmem>>, vector<16xf32>,
      tpu.vector_store_idx %arg10[%broadcast_in_dim3A, %get3A_28], %get3A_31 : memref<32x256xf32, #tpu.memory_space<vmem>>[vector<16xi32>, vector<16xi32>], vector<16xf32>,
      %get3A_32 = arith.index_cast %scan3A_8 : i32 to index
      %get3A_33 = arith.constant 32 : index
      %get3A_34 = tpu.vector_load %arg9[%get3A_32, %get3A_33] {strides = array<i32>} : memref<32x256xi32, #tpu.memory_space<vmem>>, vector<16xi32>,
      tpu.vector_store_idx %arg11[%broadcast_in_dim3A, %get3A_28], %get3A_34 : memref<32x256xi32, #tpu.memory_space<vmem>>[vector<16xi32>, vector<16xi32>], vector<16xi32>,
      %get3A_35 = arith.index_cast %scan3A_8 : i32 to index
      %get3A_36 = arith.constant 48 : index
      %get3A_37 = tpu.vector_load %arg8[%get3A_35, %get3A_36] {strides = array<i32>} : memref<32x256xi32, #tpu.memory_space<vmem>>, vector<16xi32>,
      %get3A_38 = arith.index_cast %scan3A_8 : i32 to index
      %get3A_39 = arith.constant 48 : index
      %get3A_40 = tpu.vector_load %arg7[%get3A_38, %get3A_39] {strides = array<i32>} : memref<32x256xf32, #tpu.memory_space<vmem>>, vector<16xf32>,
      tpu.vector_store_idx %arg10[%broadcast_in_dim3A, %get3A_37], %get3A_40 : memref<32x256xf32, #tpu.memory_space<vmem>>[vector<16xi32>, vector<16xi32>], vector<16xf32>,
      %get3A_41 = arith.index_cast %scan3A_8 : i32 to index
      %get3A_42 = arith.constant 48 : index
      %get3A_43 = tpu.vector_load %arg9[%get3A_41, %get3A_42] {strides = array<i32>} : memref<32x256xi32, #tpu.memory_space<vmem>>, vector<16xi32>,
      tpu.vector_store_idx %arg11[%broadcast_in_dim3A, %get3A_37], %get3A_43 : memref<32x256xi32, #tpu.memory_space<vmem>>[vector<16xi32>, vector<16xi32>], vector<16xi32>,
      %get3A_44 = arith.index_cast %scan3A_8 : i32 to index
      %get3A_45 = arith.constant 64 : index
      %get3A_46 = tpu.vector_load %arg8[%get3A_44, %get3A_45] {strides = array<i32>} : memref<32x256xi32, #tpu.memory_space<vmem>>, vector<16xi32>,
      %get3A_47 = arith.index_cast %scan3A_8 : i32 to index
      %get3A_48 = arith.constant 64 : index
      %get3A_49 = tpu.vector_load %arg7[%get3A_47, %get3A_48] {strides = array<i32>} : memref<32x256xf32, #tpu.memory_space<vmem>>, vector<16xf32>,
      tpu.vector_store_idx %arg10[%broadcast_in_dim3A, %get3A_46], %get3A_49 : memref<32x256xf32, #tpu.memory_space<vmem>>[vector<16xi32>, vector<16xi32>], vector<16xf32>,
      %get3A_50 = arith.index_cast %scan3A_8 : i32 to index
      %get3A_51 = arith.constant 64 : index
      %get3A_52 = tpu.vector_load %arg9[%get3A_50, %get3A_51] {strides = array<i32>} : memref<32x256xi32, #tpu.memory_space<vmem>>, vector<16xi32>,
      tpu.vector_store_idx %arg11[%broadcast_in_dim3A, %get3A_46], %get3A_52 : memref<32x256xi32, #tpu.memory_space<vmem>>[vector<16xi32>, vector<16xi32>], vector<16xi32>,
      %get3A_53 = arith.index_cast %scan3A_8 : i32 to index
      %get3A_54 = arith.constant 80 : index
      %get3A_55 = tpu.vector_load %arg8[%get3A_53, %get3A_54] {strides = array<i32>} : memref<32x256xi32, #tpu.memory_space<vmem>>, vector<16xi32>,
      %get3A_56 = arith.index_cast %scan3A_8 : i32 to index
      %get3A_57 = arith.constant 80 : index
      %get3A_58 = tpu.vector_load %arg7[%get3A_56, %get3A_57] {strides = array<i32>} : memref<32x256xf32, #tpu.memory_space<vmem>>, vector<16xf32>,
      tpu.vector_store_idx %arg10[%broadcast_in_dim3A, %get3A_55], %get3A_58 : memref<32x256xf32, #tpu.memory_space<vmem>>[vector<16xi32>, vector<16xi32>], vector<16xf32>,
      %get3A_59 = arith.index_cast %scan3A_8 : i32 to index
      %get3A_60 = arith.constant 80 : index
      %get3A_61 = tpu.vector_load %arg9[%get3A_59, %get3A_60] {strides = array<i32>} : memref<32x256xi32, #tpu.memory_space<vmem>>, vector<16xi32>,
      tpu.vector_store_idx %arg11[%broadcast_in_dim3A, %get3A_55], %get3A_61 : memref<32x256xi32, #tpu.memory_space<vmem>>[vector<16xi32>, vector<16xi32>], vector<16xi32>,
      %get3A_62 = arith.index_cast %scan3A_8 : i32 to index
      %get3A_63 = arith.constant 96 : index
      %get3A_64 = tpu.vector_load %arg8[%get3A_62, %get3A_63] {strides = array<i32>} : memref<32x256xi32, #tpu.memory_space<vmem>>, vector<16xi32>,
      %get3A_65 = arith.index_cast %scan3A_8 : i32 to index
      %get3A_66 = arith.constant 96 : index
      %get3A_67 = tpu.vector_load %arg7[%get3A_65, %get3A_66] {strides = array<i32>} : memref<32x256xf32, #tpu.memory_space<vmem>>, vector<16xf32>,
      tpu.vector_store_idx %arg10[%broadcast_in_dim3A, %get3A_64], %get3A_67 : memref<32x256xf32, #tpu.memory_space<vmem>>[vector<16xi32>, vector<16xi32>], vector<16xf32>,
      %get3A_68 = arith.index_cast %scan3A_8 : i32 to index
      %get3A_69 = arith.constant 96 : index
      %get3A_70 = tpu.vector_load %arg9[%get3A_68, %get3A_69] {strides = array<i32>} : memref<32x256xi32, #tpu.memory_space<vmem>>, vector<16xi32>,
      tpu.vector_store_idx %arg11[%broadcast_in_dim3A, %get3A_64], %get3A_70 : memref<32x256xi32, #tpu.memory_space<vmem>>[vector<16xi32>, vector<16xi32>], vector<16xi32>,
      %get3A_71 = arith.index_cast %scan3A_8 : i32 to index
      %get3A_72 = arith.constant 112 : index
      %get3A_73 = tpu.vector_load %arg8[%get3A_71, %get3A_72] {strides = array<i32>} : memref<32x256xi32, #tpu.memory_space<vmem>>, vector<16xi32>,
      %get3A_74 = arith.index_cast %scan3A_8 : i32 to index
      %get3A_75 = arith.constant 112 : index
      %get3A_76 = tpu.vector_load %arg7[%get3A_74, %get3A_75] {strides = array<i32>} : memref<32x256xf32, #tpu.memory_space<vmem>>, vector<16xf32>,
      tpu.vector_store_idx %arg10[%broadcast_in_dim3A, %get3A_73], %get3A_76 : memref<32x256xf32, #tpu.memory_space<vmem>>[vector<16xi32>, vector<16xi32>], vector<16xf32>,
      %get3A_77 = arith.index_cast %scan3A_8 : i32 to index
      %get3A_78 = arith.constant 112 : index
      %get3A_79 = tpu.vector_load %arg9[%get3A_77, %get3A_78] {strides = array<i32>} : memref<32x256xi32, #tpu.memory_space<vmem>>, vector<16xi32>,
      tpu.vector_store_idx %arg11[%broadcast_in_dim3A, %get3A_73], %get3A_79 : memref<32x256xi32, #tpu.memory_space<vmem>>[vector<16xi32>, vector<16xi32>], vector<16xi32>,
      %get3A_80 = arith.index_cast %scan3A_8 : i32 to index
      %get3A_81 = arith.constant 128 : index
      %get3A_82 = tpu.vector_load %arg8[%get3A_80, %get3A_81] {strides = array<i32>} : memref<32x256xi32, #tpu.memory_space<vmem>>, vector<16xi32>,
      %get3A_83 = arith.index_cast %scan3A_8 : i32 to index
      %get3A_84 = arith.constant 128 : index
      %get3A_85 = tpu.vector_load %arg7[%get3A_83, %get3A_84] {strides = array<i32>} : memref<32x256xf32, #tpu.memory_space<vmem>>, vector<16xf32>,
      tpu.vector_store_idx %arg10[%broadcast_in_dim3A, %get3A_82], %get3A_85 : memref<32x256xf32, #tpu.memory_space<vmem>>[vector<16xi32>, vector<16xi32>], vector<16xf32>,
      %get3A_86 = arith.index_cast %scan3A_8 : i32 to index
      %get3A_87 = arith.constant 128 : index
      %get3A_88 = tpu.vector_load %arg9[%get3A_86, %get3A_87] {strides = array<i32>} : memref<32x256xi32, #tpu.memory_space<vmem>>, vector<16xi32>,
      tpu.vector_store_idx %arg11[%broadcast_in_dim3A, %get3A_82], %get3A_88 : memref<32x256xi32, #tpu.memory_space<vmem>>[vector<16xi32>, vector<16xi32>], vector<16xi32>,
      %get3A_89 = arith.index_cast %scan3A_8 : i32 to index
      %get3A_90 = arith.constant 144 : index
      %get3A_91 = tpu.vector_load %arg8[%get3A_89, %get3A_90] {strides = array<i32>} : memref<32x256xi32, #tpu.memory_space<vmem>>, vector<16xi32>,
      %get3A_92 = arith.index_cast %scan3A_8 : i32 to index
      %get3A_93 = arith.constant 144 : index
      %get3A_94 = tpu.vector_load %arg7[%get3A_92, %get3A_93] {strides = array<i32>} : memref<32x256xf32, #tpu.memory_space<vmem>>, vector<16xf32>,
      tpu.vector_store_idx %arg10[%broadcast_in_dim3A, %get3A_91], %get3A_94 : memref<32x256xf32, #tpu.memory_space<vmem>>[vector<16xi32>, vector<16xi32>], vector<16xf32>,
      %get3A_95 = arith.index_cast %scan3A_8 : i32 to index
      %get3A_96 = arith.constant 144 : index
      %get3A_97 = tpu.vector_load %arg9[%get3A_95, %get3A_96] {strides = array<i32>} : memref<32x256xi32, #tpu.memory_space<vmem>>, vector<16xi32>,
      tpu.vector_store_idx %arg11[%broadcast_in_dim3A, %get3A_91], %get3A_97 : memref<32x256xi32, #tpu.memory_space<vmem>>[vector<16xi32>, vector<16xi32>], vector<16xi32>,
      %get3A_98 = arith.index_cast %scan3A_8 : i32 to index
      %get3A_99 = arith.constant 160 : index
      %get3A_100 = tpu.vector_load %arg8[%get3A_98, %get3A_99] {strides = array<i32>} : memref<32x256xi32, #tpu.memory_space<vmem>>, vector<16xi32>,
      %get3A_101 = arith.index_cast %scan3A_8 : i32 to index
      %get3A_102 = arith.constant 160 : index
      %get3A_103 = tpu.vector_load %arg7[%get3A_101, %get3A_102] {strides = array<i32>} : memref<32x256xf32, #tpu.memory_space<vmem>>, vector<16xf32>,
      tpu.vector_store_idx %arg10[%broadcast_in_dim3A, %get3A_100], %get3A_103 : memref<32x256xf32, #tpu.memory_space<vmem>>[vector<16xi32>, vector<16xi32>], vector<16xf32>,
      %get3A_104 = arith.index_cast %scan3A_8 : i32 to index
      %get3A_105 = arith.constant 160 : index
      %get3A_106 = tpu.vector_load %arg9[%get3A_104, %get3A_105] {strides = array<i32>} : memref<32x256xi32, #tpu.memory_space<vmem>>, vector<16xi32>,
      tpu.vector_store_idx %arg11[%broadcast_in_dim3A, %get3A_100], %get3A_106 : memref<32x256xi32, #tpu.memory_space<vmem>>[vector<16xi32>, vector<16xi32>], vector<16xi32>,
      %get3A_107 = arith.index_cast %scan3A_8 : i32 to index
      %get3A_108 = arith.constant 176 : index
      %get3A_109 = tpu.vector_load %arg8[%get3A_107, %get3A_108] {strides = array<i32>} : memref<32x256xi32, #tpu.memory_space<vmem>>, vector<16xi32>,
      %get3A_110 = arith.index_cast %scan3A_8 : i32 to index
      %get3A_111 = arith.constant 176 : index
      %get3A_112 = tpu.vector_load %arg7[%get3A_110, %get3A_111] {strides = array<i32>} : memref<32x256xf32, #tpu.memory_space<vmem>>, vector<16xf32>,
      tpu.vector_store_idx %arg10[%broadcast_in_dim3A, %get3A_109], %get3A_112 : memref<32x256xf32, #tpu.memory_space<vmem>>[vector<16xi32>, vector<16xi32>], vector<16xf32>,
      %get3A_113 = arith.index_cast %scan3A_8 : i32 to index
      %get3A_114 = arith.constant 176 : index
      %get3A_115 = tpu.vector_load %arg9[%get3A_113, %get3A_114] {strides = array<i32>} : memref<32x256xi32, #tpu.memory_space<vmem>>, vector<16xi32>,
      tpu.vector_store_idx %arg11[%broadcast_in_dim3A, %get3A_109], %get3A_115 : memref<32x256xi32, #tpu.memory_space<vmem>>[vector<16xi32>, vector<16xi32>], vector<16xi32>,
      %get3A_116 = arith.index_cast %scan3A_8 : i32 to index
      %get3A_117 = arith.constant 192 : index
      %get3A_118 = tpu.vector_load %arg8[%get3A_116, %get3A_117] {strides = array<i32>} : memref<32x256xi32, #tpu.memory_space<vmem>>, vector<16xi32>,
      %get3A_119 = arith.index_cast %scan3A_8 : i32 to index
      %get3A_120 = arith.constant 192 : index
      %get3A_121 = tpu.vector_load %arg7[%get3A_119, %get3A_120] {strides = array<i32>} : memref<32x256xf32, #tpu.memory_space<vmem>>, vector<16xf32>,
      tpu.vector_store_idx %arg10[%broadcast_in_dim3A, %get3A_118], %get3A_121 : memref<32x256xf32, #tpu.memory_space<vmem>>[vector<16xi32>, vector<16xi32>], vector<16xf32>,
      %get3A_122 = arith.index_cast %scan3A_8 : i32 to index
      %get3A_123 = arith.constant 192 : index
      %get3A_124 = tpu.vector_load %arg9[%get3A_122, %get3A_123] {strides = array<i32>} : memref<32x256xi32, #tpu.memory_space<vmem>>, vector<16xi32>,
      tpu.vector_store_idx %arg11[%broadcast_in_dim3A, %get3A_118], %get3A_124 : memref<32x256xi32, #tpu.memory_space<vmem>>[vector<16xi32>, vector<16xi32>], vector<16xi32>,
      %get3A_125 = arith.index_cast %scan3A_8 : i32 to index
      %get3A_126 = arith.constant 208 : index
      %get3A_127 = tpu.vector_load %arg8[%get3A_125, %get3A_126] {strides = array<i32>} : memref<32x256xi32, #tpu.memory_space<vmem>>, vector<16xi32>,
      %get3A_128 = arith.index_cast %scan3A_8 : i32 to index
      %get3A_129 = arith.constant 208 : index
      %get3A_130 = tpu.vector_load %arg7[%get3A_128, %get3A_129] {strides = array<i32>} : memref<32x256xf32, #tpu.memory_space<vmem>>, vector<16xf32>,
      tpu.vector_store_idx %arg10[%broadcast_in_dim3A, %get3A_127], %get3A_130 : memref<32x256xf32, #tpu.memory_space<vmem>>[vector<16xi32>, vector<16xi32>], vector<16xf32>,
      %get3A_131 = arith.index_cast %scan3A_8 : i32 to index
      %get3A_132 = arith.constant 208 : index
      %get3A_133 = tpu.vector_load %arg9[%get3A_131, %get3A_132] {strides = array<i32>} : memref<32x256xi32, #tpu.memory_space<vmem>>, vector<16xi32>,
      tpu.vector_store_idx %arg11[%broadcast_in_dim3A, %get3A_127], %get3A_133 : memref<32x256xi32, #tpu.memory_space<vmem>>[vector<16xi32>, vector<16xi32>], vector<16xi32>,
      %get3A_134 = arith.index_cast %scan3A_8 : i32 to index
      %get3A_135 = arith.constant 224 : index
      %get3A_136 = tpu.vector_load %arg8[%get3A_134, %get3A_135] {strides = array<i32>} : memref<32x256xi32, #tpu.memory_space<vmem>>, vector<16xi32>,
      %get3A_137 = arith.index_cast %scan3A_8 : i32 to index
      %get3A_138 = arith.constant 224 : index
      %get3A_139 = tpu.vector_load %arg7[%get3A_137, %get3A_138] {strides = array<i32>} : memref<32x256xf32, #tpu.memory_space<vmem>>, vector<16xf32>,
      tpu.vector_store_idx %arg10[%broadcast_in_dim3A, %get3A_136], %get3A_139 : memref<32x256xf32, #tpu.memory_space<vmem>>[vector<16xi32>, vector<16xi32>], vector<16xf32>,
      %get3A_140 = arith.index_cast %scan3A_8 : i32 to index
      %get3A_141 = arith.constant 224 : index
      %get3A_142 = tpu.vector_load %arg9[%get3A_140, %get3A_141] {strides = array<i32>} : memref<32x256xi32, #tpu.memory_space<vmem>>, vector<16xi32>,
      tpu.vector_store_idx %arg11[%broadcast_in_dim3A, %get3A_136], %get3A_142 : memref<32x256xi32, #tpu.memory_space<vmem>>[vector<16xi32>, vector<16xi32>], vector<16xi32>,
      %get3A_143 = arith.index_cast %scan3A_8 : i32 to index
      %get3A_144 = arith.constant 240 : index
      %get3A_145 = tpu.vector_load %arg8[%get3A_143, %get3A_144] {strides = array<i32>} : memref<32x256xi32, #tpu.memory_space<vmem>>, vector<16xi32>,
      %get3A_146 = arith.index_cast %scan3A_8 : i32 to index
      %get3A_147 = arith.constant 240 : index
      %get3A_148 = tpu.vector_load %arg7[%get3A_146, %get3A_147] {strides = array<i32>} : memref<32x256xf32, #tpu.memory_space<vmem>>, vector<16xf32>,
      tpu.vector_store_idx %arg10[%broadcast_in_dim3A, %get3A_145], %get3A_148 : memref<32x256xf32, #tpu.memory_space<vmem>>[vector<16xi32>, vector<16xi32>], vector<16xf32>,
      %get3A_149 = arith.index_cast %scan3A_8 : i32 to index
      %get3A_150 = arith.constant 240 : index
      %get3A_151 = tpu.vector_load %arg9[%get3A_149, %get3A_150] {strides = array<i32>} : memref<32x256xi32, #tpu.memory_space<vmem>>, vector<16xi32>,
      tpu.vector_store_idx %arg11[%broadcast_in_dim3A, %get3A_145], %get3A_151 : memref<32x256xi32, #tpu.memory_space<vmem>>[vector<16xi32>, vector<16xi32>], vector<16xi32>,
    }
    %scan3A_7 = arith.constant 32 : i32
    "tpu.region"() ({
      %run_scoped3A = tpu.sem_alloc : memref<!tpu.dma_semaphore, #tpu.memory_space<semaphore_mem>>
      %dma_start3A = arith.constant 0 : i32
      %dma_start3A_8 = tpu.memref_slice %arg5[%mul3A_2, %dma_start3A] : memref<1024x256xf32, #tpu.memory_space<hbm>> -> memref<32x256xf32, #tpu.memory_space<hbm>>
      %dma_start3A_9 = arith.constant 0 : i32
      %dma_start3A_10 = tpu.memref_slice %arg5[%mul3A_2, %dma_start3A_9] : memref<1024x256xf32, #tpu.memory_space<hbm>> -> memref<32x256xf32, #tpu.memory_space<hbm>>
      tpu.enqueue_dma source(%arg10 : memref<32x256xf32, #tpu.memory_space<vmem>>) target(%dma_start3A_10 : memref<32x256xf32, #tpu.memory_space<hbm>>) target_semaphore(%run_scoped3A : memref<!tpu.dma_semaphore, #tpu.memory_space<semaphore_mem>>)
      %dma_wait3A = arith.constant 0 : i32
      %dma_wait3A_11 = tpu.memref_slice %arg5[%mul3A_2, %dma_wait3A] : memref<1024x256xf32, #tpu.memory_space<hbm>> -> memref<32x256xf32, #tpu.memory_space<hbm>>
      %dma_wait3A_12 = arith.constant 0 : i32
      %dma_wait3A_13 = tpu.memref_slice %arg5[%mul3A_2, %dma_wait3A_12] : memref<1024x256xf32, #tpu.memory_space<hbm>> -> memref<32x256xf32, #tpu.memory_space<hbm>>
      tpu.wait_dma2 semaphore(%run_scoped3A : memref<!tpu.dma_semaphore, #tpu.memory_space<semaphore_mem>>) src(%arg10 : memref<32x256xf32, #tpu.memory_space<vmem>>) dst(%dma_wait3A_13 : memref<32x256xf32, #tpu.memory_space<hbm>>)
      tpu.yield
    }) : () -> ()
    "tpu.region"() ({
      %run_scoped3A = tpu.sem_alloc : memref<!tpu.dma_semaphore, #tpu.memory_space<semaphore_mem>>
      %dma_start3A = arith.constant 0 : i32
      %dma_start3A_8 = tpu.memref_slice %arg6[%mul3A_2, %dma_start3A] : memref<1024x256xi32, #tpu.memory_space<hbm>> -> memref<32x256xi32, #tpu.memory_space<hbm>>
      %dma_start3A_9 = arith.constant 0 : i32
      %dma_start3A_10 = tpu.memref_slice %arg6[%mul3A_2, %dma_start3A_9] : memref<1024x256xi32, #tpu.memory_space<hbm>> -> memref<32x256xi32, #tpu.memory_space<hbm>>
      tpu.enqueue_dma source(%arg11 : memref<32x256xi32, #tpu.memory_space<vmem>>) target(%dma_start3A_10 : memref<32x256xi32, #tpu.memory_space<hbm>>) target_semaphore(%run_scoped3A : memref<!tpu.dma_semaphore, #tpu.memory_space<semaphore_mem>>)
      %dma_wait3A = arith.constant 0 : i32
      %dma_wait3A_11 = tpu.memref_slice %arg6[%mul3A_2, %dma_wait3A] : memref<1024x256xi32, #tpu.memory_space<hbm>> -> memref<32x256xi32, #tpu.memory_space<hbm>>
      %dma_wait3A_12 = arith.constant 0 : i32
      %dma_wait3A_13 = tpu.memref_slice %arg6[%mul3A_2, %dma_wait3A_12] : memref<1024x256xi32, #tpu.memory_space<hbm>> -> memref<32x256xi32, #tpu.memory_space<hbm>>
      tpu.wait_dma2 semaphore(%run_scoped3A : memref<!tpu.dma_semaphore, #tpu.memory_space<semaphore_mem>>) src(%arg11 : memref<32x256xi32, #tpu.memory_space<vmem>>) dst(%dma_wait3A_13 : memref<32x256xi32, #tpu.memory_space<hbm>>)
      tpu.yield
    }) : () -> ()
    return
  }
}

module attributes {stable_mosaic.version = 14 : i64} {
  func.func @_decode_kernel(%arg0: i32, %arg1: memref<10xf32, #tpu.memory_space<smem>>, %arg2: memref<1xf32, #tpu.memory_space<smem>>, %arg3: memref<256x256xf32, #tpu.memory_space<vmem>>, %arg4: memref<256x256xf32, #tpu.memory_space<vmem>>, %arg5: memref<256x256xf32, #tpu.memory_space<vmem>>, %arg6: memref<256x256xi32, #tpu.memory_space<vmem>>, %arg7: memref<256x256xi32, #tpu.memory_space<vmem>>) attributes {dimension_semantics = [#tpu.dimension_semantics<parallel>], iteration_bounds = array<i64: 4>, scalar_prefetch = 0 : i64, scratch_operands = 0 : i64, tpu.core_type = #tpu.core_type<tc>, window_params = [{transform_indices = @transform_0, window_bounds = array<i64: 10>}, {transform_indices = @transform_1, window_bounds = array<i64: 1>}, {transform_indices = @transform_2, window_bounds = array<i64: 256, 256>}, {transform_indices = @transform_3, window_bounds = array<i64: 256, 256>}, {transform_indices = @transform_4, window_bounds = array<i64: 256, 256>}, {transform_indices = @transform_5, window_bounds = array<i64: 256, 256>}, {transform_indices = @transform_6, window_bounds = array<i64: 256, 256>}]} {
    %get3A = arith.constant 0 : index
    %get3A_0 = arith.constant 0 : index
    %get3A_1 = vector.load %arg3[%get3A, %get3A_0] : memref<256x256xf32, #tpu.memory_space<vmem>>, vector<256x256xf32>
    %get3A_2 = arith.constant 0 : index
    %get3A_3 = arith.constant 0 : index
    %get3A_4 = vector.load %arg4[%get3A_2, %get3A_3] : memref<256x256xf32, #tpu.memory_space<vmem>>, vector<256x256xf32>
    %div3A = arith.divf %get3A_4, %get3A_1 : vector<256x256xf32>
    %div3A_5 = arith.divf %get3A_1, %get3A_1 : vector<256x256xf32>
    %sub3A = arith.subf %get3A_1, %get3A_4 : vector<256x256xf32>
    %div3A_6 = arith.constant 1.000000e+03 : f32
    %div3A_7 = vector.broadcast %div3A_6 : f32 to vector<256x256xf32>
    %div3A_8 = arith.divf %sub3A, %div3A_7 : vector<256x256xf32>
    %sub3A_9 = arith.subf %get3A_1, %get3A_1 : vector<256x256xf32>
    %div3A_10 = arith.constant 1.000000e+03 : f32
    %div3A_11 = vector.broadcast %div3A_10 : f32 to vector<256x256xf32>
    %div3A_12 = arith.divf %sub3A_9, %div3A_11 : vector<256x256xf32>
    %log3A = math.log %get3A_1 : vector<256x256xf32>
    %div3A_13 = arith.constant 0.693147182 : f32
    %div3A_14 = vector.broadcast %div3A_13 : f32 to vector<256x256xf32>
    %div3A_15 = arith.divf %log3A, %div3A_14 : vector<256x256xf32>
    %div3A_16 = arith.constant 0.693147182 : f32
    %div3A_17 = vector.broadcast %div3A_16 : f32 to vector<256x256xf32>
    %div3A_18 = arith.divf %get3A_4, %div3A_17 : vector<256x256xf32>
    %log3A_19 = math.log %div3A_18 : vector<256x256xf32>
    %div3A_20 = arith.constant 0.693147182 : f32
    %div3A_21 = vector.broadcast %div3A_20 : f32 to vector<256x256xf32>
    %div3A_22 = arith.divf %get3A_1, %div3A_21 : vector<256x256xf32>
    %log3A_23 = math.log %div3A_22 : vector<256x256xf32>
    %div3A_24 = arith.constant 1.000000e+03 : f32
    %div3A_25 = vector.broadcast %div3A_24 : f32 to vector<256x256xf32>
    %div3A_26 = arith.divf %get3A_1, %div3A_25 : vector<256x256xf32>
    %div3A_27 = arith.constant 1.000000e+03 : f32
    %div3A_28 = vector.broadcast %div3A_27 : f32 to vector<256x256xf32>
    %div3A_29 = arith.divf %get3A_4, %div3A_28 : vector<256x256xf32>
    %div3A_30 = arith.constant 1.000000e+03 : f32
    %div3A_31 = vector.broadcast %div3A_30 : f32 to vector<256x256xf32>
    %div3A_32 = arith.divf %get3A_1, %div3A_31 : vector<256x256xf32>
    %convert_element_type3A = arith.truncf %div3A : vector<256x256xf32> to vector<256x256xbf16>
    %convert_element_type3A_33 = arith.extf %convert_element_type3A : vector<256x256xbf16> to vector<256x256xf32>
    %get3A_34 = arith.constant 0 : index
    %get3A_35 = memref.load %arg1[%get3A_34] : memref<10xf32, #tpu.memory_space<smem>>
    %mul3A = vector.broadcast %get3A_35 : f32 to vector<256x256xf32>
    %mul3A_36 = arith.mulf %convert_element_type3A_33, %mul3A : vector<256x256xf32>
    %convert_element_type3A_37 = arith.truncf %div3A_5 : vector<256x256xf32> to vector<256x256xbf16>
    %convert_element_type3A_38 = arith.extf %convert_element_type3A_37 : vector<256x256xbf16> to vector<256x256xf32>
    %get3A_39 = arith.constant 1 : index
    %get3A_40 = memref.load %arg1[%get3A_39] : memref<10xf32, #tpu.memory_space<smem>>
    %mul3A_41 = vector.broadcast %get3A_40 : f32 to vector<256x256xf32>
    %mul3A_42 = arith.mulf %convert_element_type3A_38, %mul3A_41 : vector<256x256xf32>
    %convert_element_type3A_43 = arith.truncf %div3A_8 : vector<256x256xf32> to vector<256x256xbf16>
    %convert_element_type3A_44 = arith.extf %convert_element_type3A_43 : vector<256x256xbf16> to vector<256x256xf32>
    %get3A_45 = arith.constant 2 : index
    %get3A_46 = memref.load %arg1[%get3A_45] : memref<10xf32, #tpu.memory_space<smem>>
    %mul3A_47 = vector.broadcast %get3A_46 : f32 to vector<256x256xf32>
    %mul3A_48 = arith.mulf %convert_element_type3A_44, %mul3A_47 : vector<256x256xf32>
    %convert_element_type3A_49 = arith.truncf %div3A_12 : vector<256x256xf32> to vector<256x256xbf16>
    %convert_element_type3A_50 = arith.extf %convert_element_type3A_49 : vector<256x256xbf16> to vector<256x256xf32>
    %get3A_51 = arith.constant 3 : index
    %get3A_52 = memref.load %arg1[%get3A_51] : memref<10xf32, #tpu.memory_space<smem>>
    %mul3A_53 = vector.broadcast %get3A_52 : f32 to vector<256x256xf32>
    %mul3A_54 = arith.mulf %convert_element_type3A_50, %mul3A_53 : vector<256x256xf32>
    %convert_element_type3A_55 = arith.truncf %div3A_15 : vector<256x256xf32> to vector<256x256xbf16>
    %convert_element_type3A_56 = arith.extf %convert_element_type3A_55 : vector<256x256xbf16> to vector<256x256xf32>
    %get3A_57 = arith.constant 4 : index
    %get3A_58 = memref.load %arg1[%get3A_57] : memref<10xf32, #tpu.memory_space<smem>>
    %mul3A_59 = vector.broadcast %get3A_58 : f32 to vector<256x256xf32>
    %mul3A_60 = arith.mulf %convert_element_type3A_56, %mul3A_59 : vector<256x256xf32>
    %convert_element_type3A_61 = arith.truncf %log3A_19 : vector<256x256xf32> to vector<256x256xbf16>
    %convert_element_type3A_62 = arith.extf %convert_element_type3A_61 : vector<256x256xbf16> to vector<256x256xf32>
    %get3A_63 = arith.constant 5 : index
    %get3A_64 = memref.load %arg1[%get3A_63] : memref<10xf32, #tpu.memory_space<smem>>
    %mul3A_65 = vector.broadcast %get3A_64 : f32 to vector<256x256xf32>
    %mul3A_66 = arith.mulf %convert_element_type3A_62, %mul3A_65 : vector<256x256xf32>
    %convert_element_type3A_67 = arith.truncf %log3A_23 : vector<256x256xf32> to vector<256x256xbf16>
    %convert_element_type3A_68 = arith.extf %convert_element_type3A_67 : vector<256x256xbf16> to vector<256x256xf32>
    %get3A_69 = arith.constant 6 : index
    %get3A_70 = memref.load %arg1[%get3A_69] : memref<10xf32, #tpu.memory_space<smem>>
    %mul3A_71 = vector.broadcast %get3A_70 : f32 to vector<256x256xf32>
    %mul3A_72 = arith.mulf %convert_element_type3A_68, %mul3A_71 : vector<256x256xf32>
    %convert_element_type3A_73 = arith.truncf %div3A_26 : vector<256x256xf32> to vector<256x256xbf16>
    %convert_element_type3A_74 = arith.extf %convert_element_type3A_73 : vector<256x256xbf16> to vector<256x256xf32>
    %get3A_75 = arith.constant 7 : index
    %get3A_76 = memref.load %arg1[%get3A_75] : memref<10xf32, #tpu.memory_space<smem>>
    %mul3A_77 = vector.broadcast %get3A_76 : f32 to vector<256x256xf32>
    %mul3A_78 = arith.mulf %convert_element_type3A_74, %mul3A_77 : vector<256x256xf32>
    %convert_element_type3A_79 = arith.truncf %div3A_29 : vector<256x256xf32> to vector<256x256xbf16>
    %convert_element_type3A_80 = arith.extf %convert_element_type3A_79 : vector<256x256xbf16> to vector<256x256xf32>
    %get3A_81 = arith.constant 8 : index
    %get3A_82 = memref.load %arg1[%get3A_81] : memref<10xf32, #tpu.memory_space<smem>>
    %mul3A_83 = vector.broadcast %get3A_82 : f32 to vector<256x256xf32>
    %mul3A_84 = arith.mulf %convert_element_type3A_80, %mul3A_83 : vector<256x256xf32>
    %convert_element_type3A_85 = arith.truncf %div3A_32 : vector<256x256xf32> to vector<256x256xbf16>
    %convert_element_type3A_86 = arith.extf %convert_element_type3A_85 : vector<256x256xbf16> to vector<256x256xf32>
    %get3A_87 = arith.constant 9 : index
    %get3A_88 = memref.load %arg1[%get3A_87] : memref<10xf32, #tpu.memory_space<smem>>
    %mul3A_89 = vector.broadcast %get3A_88 : f32 to vector<256x256xf32>
    %mul3A_90 = arith.mulf %convert_element_type3A_86, %mul3A_89 : vector<256x256xf32>
    %add3A = arith.addf %mul3A_36, %mul3A_42 : vector<256x256xf32>
    %add3A_91 = arith.addf %mul3A_48, %mul3A_54 : vector<256x256xf32>
    %add3A_92 = arith.addf %mul3A_60, %mul3A_66 : vector<256x256xf32>
    %add3A_93 = arith.addf %mul3A_72, %mul3A_78 : vector<256x256xf32>
    %add3A_94 = arith.addf %mul3A_84, %mul3A_90 : vector<256x256xf32>
    %add3A_95 = arith.addf %add3A, %add3A_91 : vector<256x256xf32>
    %add3A_96 = arith.addf %add3A_92, %add3A_93 : vector<256x256xf32>
    %add3A_97 = arith.addf %add3A_95, %add3A_96 : vector<256x256xf32>
    %add3A_98 = arith.addf %add3A_97, %add3A_94 : vector<256x256xf32>
    %get3A_99 = arith.constant 0 : index
    %get3A_100 = memref.load %arg2[%get3A_99] : memref<1xf32, #tpu.memory_space<smem>>
    %add3A_101 = vector.broadcast %get3A_100 : f32 to vector<256x256xf32>
    %add3A_102 = arith.addf %add3A_98, %add3A_101 : vector<256x256xf32>
    %iota3A = tpu.iota {dimensions = array<i32: 1>} : vector<256x256xi32>
    %lt3A = arith.constant 200 : i32
    %lt3A_103 = vector.broadcast %lt3A : i32 to vector<256x256xi32>
    %lt3A_104 = arith.cmpi slt, %iota3A, %lt3A_103 : vector<256x256xi32>
    %jit3A = arith.constant 0xFF800000 : f32
    %broadcast_in_dim3A = vector.broadcast %jit3A : f32 to vector<256x256xf32>
    %select_n3A = arith.select %lt3A_104, %add3A_102, %broadcast_in_dim3A : vector<256x256xi1>, vector<256x256xf32>
    %broadcast_in_dim3A_105 = arith.constant -1 : i32
    %broadcast_in_dim3A_106 = vector.broadcast %broadcast_in_dim3A_105 : i32 to vector<256x256xi32>
    %broadcast_in_dim3A_107 = arith.constant 0.000000e+00 : f32
    %broadcast_in_dim3A_108 = vector.broadcast %broadcast_in_dim3A_107 : f32 to vector<256x256xf32>
    %scan3A = arith.constant 0 : i32
    %scan3A_109 = arith.constant 4 : i32
    %scan3A_110 = arith.addi %scan3A, %scan3A_109 : i32
    %scan3A_111 = arith.constant 1 : i32
    %scan3A_112:2 = scf.for %scan3A_156 = %scan3A to %scan3A_110 step %scan3A_111 iter_args(%scan3A_157 = %broadcast_in_dim3A_106, %scan3A_158 = %broadcast_in_dim3A_108) -> (vector<256x256xi32>, vector<256x256xf32>)  : i32 {
      %mul3A_159 = arith.constant 64 : i32
      %mul3A_160 = arith.muli %scan3A_156, %mul3A_159 : i32
      %add3A_161 = arith.constant 0 : i32
      %add3A_162 = arith.addi %mul3A_160, %add3A_161 : i32
      %roll3A = tpu.dynamic_rotate %select_n3A by %add3A_162 dim 1 : vector<256x256xf32>, i32 -> vector<256x256xf32>
      %ge3A = vector.broadcast %add3A_162 : i32 to vector<256x256xi32>
      %ge3A_163 = arith.cmpi sge, %iota3A, %ge3A : vector<256x256xi32>
      %gt3A_164 = arith.cmpf ogt, %roll3A, %select_n3A : vector<256x256xf32>
      %eq3A = arith.cmpf oeq, %roll3A, %select_n3A : vector<256x256xf32>
      %and3A_165 = arith.andi %eq3A, %ge3A_163 : vector<256x256xi1>
      %or3A = arith.ori %gt3A_164, %and3A_165 : vector<256x256xi1>
      %convert_element_type3A_166 = arith.extui %or3A : vector<256x256xi1> to vector<256x256xi32>
      %add3A_167 = arith.addi %scan3A_157, %convert_element_type3A_166 : vector<256x256xi32>
      %sub3A_168 = arith.subf %roll3A, %select_n3A : vector<256x256xf32>
      %exp3A = math.exp %sub3A_168 : vector<256x256xf32>
      %jit3A_169 = arith.constant 0.000000e+00 : f32
      %broadcast_in_dim3A_170 = vector.broadcast %jit3A_169 : f32 to vector<256x256xf32>
      %select_n3A_171 = arith.select %or3A, %broadcast_in_dim3A_170, %exp3A : vector<256x256xi1>, vector<256x256xf32>
      %add3A_172 = arith.addf %scan3A_158, %select_n3A_171 : vector<256x256xf32>
      %mul3A_173 = arith.constant 64 : i32
      %mul3A_174 = arith.muli %scan3A_156, %mul3A_173 : i32
      %add3A_175 = arith.constant 1 : i32
      %add3A_176 = arith.addi %mul3A_174, %add3A_175 : i32
      %roll3A_177 = tpu.dynamic_rotate %select_n3A by %add3A_176 dim 1 : vector<256x256xf32>, i32 -> vector<256x256xf32>
      %ge3A_178 = vector.broadcast %add3A_176 : i32 to vector<256x256xi32>
      %ge3A_179 = arith.cmpi sge, %iota3A, %ge3A_178 : vector<256x256xi32>
      %gt3A_180 = arith.cmpf ogt, %roll3A_177, %select_n3A : vector<256x256xf32>
      %eq3A_181 = arith.cmpf oeq, %roll3A_177, %select_n3A : vector<256x256xf32>
      %and3A_182 = arith.andi %eq3A_181, %ge3A_179 : vector<256x256xi1>
      %or3A_183 = arith.ori %gt3A_180, %and3A_182 : vector<256x256xi1>
      %convert_element_type3A_184 = arith.extui %or3A_183 : vector<256x256xi1> to vector<256x256xi32>
      %add3A_185 = arith.addi %add3A_167, %convert_element_type3A_184 : vector<256x256xi32>
      %sub3A_186 = arith.subf %roll3A_177, %select_n3A : vector<256x256xf32>
      %exp3A_187 = math.exp %sub3A_186 : vector<256x256xf32>
      %jit3A_188 = arith.constant 0.000000e+00 : f32
      %broadcast_in_dim3A_189 = vector.broadcast %jit3A_188 : f32 to vector<256x256xf32>
      %select_n3A_190 = arith.select %or3A_183, %broadcast_in_dim3A_189, %exp3A_187 : vector<256x256xi1>, vector<256x256xf32>
      %add3A_191 = arith.addf %add3A_172, %select_n3A_190 : vector<256x256xf32>
      %mul3A_192 = arith.constant 64 : i32
      %mul3A_193 = arith.muli %scan3A_156, %mul3A_192 : i32
      %add3A_194 = arith.constant 2 : i32
      %add3A_195 = arith.addi %mul3A_193, %add3A_194 : i32
      %roll3A_196 = tpu.dynamic_rotate %select_n3A by %add3A_195 dim 1 : vector<256x256xf32>, i32 -> vector<256x256xf32>
      %ge3A_197 = vector.broadcast %add3A_195 : i32 to vector<256x256xi32>
      %ge3A_198 = arith.cmpi sge, %iota3A, %ge3A_197 : vector<256x256xi32>
      %gt3A_199 = arith.cmpf ogt, %roll3A_196, %select_n3A : vector<256x256xf32>
      %eq3A_200 = arith.cmpf oeq, %roll3A_196, %select_n3A : vector<256x256xf32>
      %and3A_201 = arith.andi %eq3A_200, %ge3A_198 : vector<256x256xi1>
      %or3A_202 = arith.ori %gt3A_199, %and3A_201 : vector<256x256xi1>
      %convert_element_type3A_203 = arith.extui %or3A_202 : vector<256x256xi1> to vector<256x256xi32>
      %add3A_204 = arith.addi %add3A_185, %convert_element_type3A_203 : vector<256x256xi32>
      %sub3A_205 = arith.subf %roll3A_196, %select_n3A : vector<256x256xf32>
      %exp3A_206 = math.exp %sub3A_205 : vector<256x256xf32>
      %jit3A_207 = arith.constant 0.000000e+00 : f32
      %broadcast_in_dim3A_208 = vector.broadcast %jit3A_207 : f32 to vector<256x256xf32>
      %select_n3A_209 = arith.select %or3A_202, %broadcast_in_dim3A_208, %exp3A_206 : vector<256x256xi1>, vector<256x256xf32>
      %add3A_210 = arith.addf %add3A_191, %select_n3A_209 : vector<256x256xf32>
      %mul3A_211 = arith.constant 64 : i32
      %mul3A_212 = arith.muli %scan3A_156, %mul3A_211 : i32
      %add3A_213 = arith.constant 3 : i32
      %add3A_214 = arith.addi %mul3A_212, %add3A_213 : i32
      %roll3A_215 = tpu.dynamic_rotate %select_n3A by %add3A_214 dim 1 : vector<256x256xf32>, i32 -> vector<256x256xf32>
      %ge3A_216 = vector.broadcast %add3A_214 : i32 to vector<256x256xi32>
      %ge3A_217 = arith.cmpi sge, %iota3A, %ge3A_216 : vector<256x256xi32>
      %gt3A_218 = arith.cmpf ogt, %roll3A_215, %select_n3A : vector<256x256xf32>
      %eq3A_219 = arith.cmpf oeq, %roll3A_215, %select_n3A : vector<256x256xf32>
      %and3A_220 = arith.andi %eq3A_219, %ge3A_217 : vector<256x256xi1>
      %or3A_221 = arith.ori %gt3A_218, %and3A_220 : vector<256x256xi1>
      %convert_element_type3A_222 = arith.extui %or3A_221 : vector<256x256xi1> to vector<256x256xi32>
      %add3A_223 = arith.addi %add3A_204, %convert_element_type3A_222 : vector<256x256xi32>
      %sub3A_224 = arith.subf %roll3A_215, %select_n3A : vector<256x256xf32>
      %exp3A_225 = math.exp %sub3A_224 : vector<256x256xf32>
      %jit3A_226 = arith.constant 0.000000e+00 : f32
      %broadcast_in_dim3A_227 = vector.broadcast %jit3A_226 : f32 to vector<256x256xf32>
      %select_n3A_228 = arith.select %or3A_221, %broadcast_in_dim3A_227, %exp3A_225 : vector<256x256xi1>, vector<256x256xf32>
      %add3A_229 = arith.addf %add3A_210, %select_n3A_228 : vector<256x256xf32>
      %mul3A_230 = arith.constant 64 : i32
      %mul3A_231 = arith.muli %scan3A_156, %mul3A_230 : i32
      %add3A_232 = arith.constant 4 : i32
      %add3A_233 = arith.addi %mul3A_231, %add3A_232 : i32
      %roll3A_234 = tpu.dynamic_rotate %select_n3A by %add3A_233 dim 1 : vector<256x256xf32>, i32 -> vector<256x256xf32>
      %ge3A_235 = vector.broadcast %add3A_233 : i32 to vector<256x256xi32>
      %ge3A_236 = arith.cmpi sge, %iota3A, %ge3A_235 : vector<256x256xi32>
      %gt3A_237 = arith.cmpf ogt, %roll3A_234, %select_n3A : vector<256x256xf32>
      %eq3A_238 = arith.cmpf oeq, %roll3A_234, %select_n3A : vector<256x256xf32>
      %and3A_239 = arith.andi %eq3A_238, %ge3A_236 : vector<256x256xi1>
      %or3A_240 = arith.ori %gt3A_237, %and3A_239 : vector<256x256xi1>
      %convert_element_type3A_241 = arith.extui %or3A_240 : vector<256x256xi1> to vector<256x256xi32>
      %add3A_242 = arith.addi %add3A_223, %convert_element_type3A_241 : vector<256x256xi32>
      %sub3A_243 = arith.subf %roll3A_234, %select_n3A : vector<256x256xf32>
      %exp3A_244 = math.exp %sub3A_243 : vector<256x256xf32>
      %jit3A_245 = arith.constant 0.000000e+00 : f32
      %broadcast_in_dim3A_246 = vector.broadcast %jit3A_245 : f32 to vector<256x256xf32>
      %select_n3A_247 = arith.select %or3A_240, %broadcast_in_dim3A_246, %exp3A_244 : vector<256x256xi1>, vector<256x256xf32>
      %add3A_248 = arith.addf %add3A_229, %select_n3A_247 : vector<256x256xf32>
      %mul3A_249 = arith.constant 64 : i32
      %mul3A_250 = arith.muli %scan3A_156, %mul3A_249 : i32
      %add3A_251 = arith.constant 5 : i32
      %add3A_252 = arith.addi %mul3A_250, %add3A_251 : i32
      %roll3A_253 = tpu.dynamic_rotate %select_n3A by %add3A_252 dim 1 : vector<256x256xf32>, i32 -> vector<256x256xf32>
      %ge3A_254 = vector.broadcast %add3A_252 : i32 to vector<256x256xi32>
      %ge3A_255 = arith.cmpi sge, %iota3A, %ge3A_254 : vector<256x256xi32>
      %gt3A_256 = arith.cmpf ogt, %roll3A_253, %select_n3A : vector<256x256xf32>
      %eq3A_257 = arith.cmpf oeq, %roll3A_253, %select_n3A : vector<256x256xf32>
      %and3A_258 = arith.andi %eq3A_257, %ge3A_255 : vector<256x256xi1>
      %or3A_259 = arith.ori %gt3A_256, %and3A_258 : vector<256x256xi1>
      %convert_element_type3A_260 = arith.extui %or3A_259 : vector<256x256xi1> to vector<256x256xi32>
      %add3A_261 = arith.addi %add3A_242, %convert_element_type3A_260 : vector<256x256xi32>
      %sub3A_262 = arith.subf %roll3A_253, %select_n3A : vector<256x256xf32>
      %exp3A_263 = math.exp %sub3A_262 : vector<256x256xf32>
      %jit3A_264 = arith.constant 0.000000e+00 : f32
      %broadcast_in_dim3A_265 = vector.broadcast %jit3A_264 : f32 to vector<256x256xf32>
      %select_n3A_266 = arith.select %or3A_259, %broadcast_in_dim3A_265, %exp3A_263 : vector<256x256xi1>, vector<256x256xf32>
      %add3A_267 = arith.addf %add3A_248, %select_n3A_266 : vector<256x256xf32>
      %mul3A_268 = arith.constant 64 : i32
      %mul3A_269 = arith.muli %scan3A_156, %mul3A_268 : i32
      %add3A_270 = arith.constant 6 : i32
      %add3A_271 = arith.addi %mul3A_269, %add3A_270 : i32
      %roll3A_272 = tpu.dynamic_rotate %select_n3A by %add3A_271 dim 1 : vector<256x256xf32>, i32 -> vector<256x256xf32>
      %ge3A_273 = vector.broadcast %add3A_271 : i32 to vector<256x256xi32>
      %ge3A_274 = arith.cmpi sge, %iota3A, %ge3A_273 : vector<256x256xi32>
      %gt3A_275 = arith.cmpf ogt, %roll3A_272, %select_n3A : vector<256x256xf32>
      %eq3A_276 = arith.cmpf oeq, %roll3A_272, %select_n3A : vector<256x256xf32>
      %and3A_277 = arith.andi %eq3A_276, %ge3A_274 : vector<256x256xi1>
      %or3A_278 = arith.ori %gt3A_275, %and3A_277 : vector<256x256xi1>
      %convert_element_type3A_279 = arith.extui %or3A_278 : vector<256x256xi1> to vector<256x256xi32>
      %add3A_280 = arith.addi %add3A_261, %convert_element_type3A_279 : vector<256x256xi32>
      %sub3A_281 = arith.subf %roll3A_272, %select_n3A : vector<256x256xf32>
      %exp3A_282 = math.exp %sub3A_281 : vector<256x256xf32>
      %jit3A_283 = arith.constant 0.000000e+00 : f32
      %broadcast_in_dim3A_284 = vector.broadcast %jit3A_283 : f32 to vector<256x256xf32>
      %select_n3A_285 = arith.select %or3A_278, %broadcast_in_dim3A_284, %exp3A_282 : vector<256x256xi1>, vector<256x256xf32>
      %add3A_286 = arith.addf %add3A_267, %select_n3A_285 : vector<256x256xf32>
      %mul3A_287 = arith.constant 64 : i32
      %mul3A_288 = arith.muli %scan3A_156, %mul3A_287 : i32
      %add3A_289 = arith.constant 7 : i32
      %add3A_290 = arith.addi %mul3A_288, %add3A_289 : i32
      %roll3A_291 = tpu.dynamic_rotate %select_n3A by %add3A_290 dim 1 : vector<256x256xf32>, i32 -> vector<256x256xf32>
      %ge3A_292 = vector.broadcast %add3A_290 : i32 to vector<256x256xi32>
      %ge3A_293 = arith.cmpi sge, %iota3A, %ge3A_292 : vector<256x256xi32>
      %gt3A_294 = arith.cmpf ogt, %roll3A_291, %select_n3A : vector<256x256xf32>
      %eq3A_295 = arith.cmpf oeq, %roll3A_291, %select_n3A : vector<256x256xf32>
      %and3A_296 = arith.andi %eq3A_295, %ge3A_293 : vector<256x256xi1>
      %or3A_297 = arith.ori %gt3A_294, %and3A_296 : vector<256x256xi1>
      %convert_element_type3A_298 = arith.extui %or3A_297 : vector<256x256xi1> to vector<256x256xi32>
      %add3A_299 = arith.addi %add3A_280, %convert_element_type3A_298 : vector<256x256xi32>
      %sub3A_300 = arith.subf %roll3A_291, %select_n3A : vector<256x256xf32>
      %exp3A_301 = math.exp %sub3A_300 : vector<256x256xf32>
      %jit3A_302 = arith.constant 0.000000e+00 : f32
      %broadcast_in_dim3A_303 = vector.broadcast %jit3A_302 : f32 to vector<256x256xf32>
      %select_n3A_304 = arith.select %or3A_297, %broadcast_in_dim3A_303, %exp3A_301 : vector<256x256xi1>, vector<256x256xf32>
      %add3A_305 = arith.addf %add3A_286, %select_n3A_304 : vector<256x256xf32>
      %mul3A_306 = arith.constant 64 : i32
      %mul3A_307 = arith.muli %scan3A_156, %mul3A_306 : i32
      %add3A_308 = arith.constant 8 : i32
      %add3A_309 = arith.addi %mul3A_307, %add3A_308 : i32
      %roll3A_310 = tpu.dynamic_rotate %select_n3A by %add3A_309 dim 1 : vector<256x256xf32>, i32 -> vector<256x256xf32>
      %ge3A_311 = vector.broadcast %add3A_309 : i32 to vector<256x256xi32>
      %ge3A_312 = arith.cmpi sge, %iota3A, %ge3A_311 : vector<256x256xi32>
      %gt3A_313 = arith.cmpf ogt, %roll3A_310, %select_n3A : vector<256x256xf32>
      %eq3A_314 = arith.cmpf oeq, %roll3A_310, %select_n3A : vector<256x256xf32>
      %and3A_315 = arith.andi %eq3A_314, %ge3A_312 : vector<256x256xi1>
      %or3A_316 = arith.ori %gt3A_313, %and3A_315 : vector<256x256xi1>
      %convert_element_type3A_317 = arith.extui %or3A_316 : vector<256x256xi1> to vector<256x256xi32>
      %add3A_318 = arith.addi %add3A_299, %convert_element_type3A_317 : vector<256x256xi32>
      %sub3A_319 = arith.subf %roll3A_310, %select_n3A : vector<256x256xf32>
      %exp3A_320 = math.exp %sub3A_319 : vector<256x256xf32>
      %jit3A_321 = arith.constant 0.000000e+00 : f32
      %broadcast_in_dim3A_322 = vector.broadcast %jit3A_321 : f32 to vector<256x256xf32>
      %select_n3A_323 = arith.select %or3A_316, %broadcast_in_dim3A_322, %exp3A_320 : vector<256x256xi1>, vector<256x256xf32>
      %add3A_324 = arith.addf %add3A_305, %select_n3A_323 : vector<256x256xf32>
      %mul3A_325 = arith.constant 64 : i32
      %mul3A_326 = arith.muli %scan3A_156, %mul3A_325 : i32
      %add3A_327 = arith.constant 9 : i32
      %add3A_328 = arith.addi %mul3A_326, %add3A_327 : i32
      %roll3A_329 = tpu.dynamic_rotate %select_n3A by %add3A_328 dim 1 : vector<256x256xf32>, i32 -> vector<256x256xf32>
      %ge3A_330 = vector.broadcast %add3A_328 : i32 to vector<256x256xi32>
      %ge3A_331 = arith.cmpi sge, %iota3A, %ge3A_330 : vector<256x256xi32>
      %gt3A_332 = arith.cmpf ogt, %roll3A_329, %select_n3A : vector<256x256xf32>
      %eq3A_333 = arith.cmpf oeq, %roll3A_329, %select_n3A : vector<256x256xf32>
      %and3A_334 = arith.andi %eq3A_333, %ge3A_331 : vector<256x256xi1>
      %or3A_335 = arith.ori %gt3A_332, %and3A_334 : vector<256x256xi1>
      %convert_element_type3A_336 = arith.extui %or3A_335 : vector<256x256xi1> to vector<256x256xi32>
      %add3A_337 = arith.addi %add3A_318, %convert_element_type3A_336 : vector<256x256xi32>
      %sub3A_338 = arith.subf %roll3A_329, %select_n3A : vector<256x256xf32>
      %exp3A_339 = math.exp %sub3A_338 : vector<256x256xf32>
      %jit3A_340 = arith.constant 0.000000e+00 : f32
      %broadcast_in_dim3A_341 = vector.broadcast %jit3A_340 : f32 to vector<256x256xf32>
      %select_n3A_342 = arith.select %or3A_335, %broadcast_in_dim3A_341, %exp3A_339 : vector<256x256xi1>, vector<256x256xf32>
      %add3A_343 = arith.addf %add3A_324, %select_n3A_342 : vector<256x256xf32>
      %mul3A_344 = arith.constant 64 : i32
      %mul3A_345 = arith.muli %scan3A_156, %mul3A_344 : i32
      %add3A_346 = arith.constant 10 : i32
      %add3A_347 = arith.addi %mul3A_345, %add3A_346 : i32
      %roll3A_348 = tpu.dynamic_rotate %select_n3A by %add3A_347 dim 1 : vector<256x256xf32>, i32 -> vector<256x256xf32>
      %ge3A_349 = vector.broadcast %add3A_347 : i32 to vector<256x256xi32>
      %ge3A_350 = arith.cmpi sge, %iota3A, %ge3A_349 : vector<256x256xi32>
      %gt3A_351 = arith.cmpf ogt, %roll3A_348, %select_n3A : vector<256x256xf32>
      %eq3A_352 = arith.cmpf oeq, %roll3A_348, %select_n3A : vector<256x256xf32>
      %and3A_353 = arith.andi %eq3A_352, %ge3A_350 : vector<256x256xi1>
      %or3A_354 = arith.ori %gt3A_351, %and3A_353 : vector<256x256xi1>
      %convert_element_type3A_355 = arith.extui %or3A_354 : vector<256x256xi1> to vector<256x256xi32>
      %add3A_356 = arith.addi %add3A_337, %convert_element_type3A_355 : vector<256x256xi32>
      %sub3A_357 = arith.subf %roll3A_348, %select_n3A : vector<256x256xf32>
      %exp3A_358 = math.exp %sub3A_357 : vector<256x256xf32>
      %jit3A_359 = arith.constant 0.000000e+00 : f32
      %broadcast_in_dim3A_360 = vector.broadcast %jit3A_359 : f32 to vector<256x256xf32>
      %select_n3A_361 = arith.select %or3A_354, %broadcast_in_dim3A_360, %exp3A_358 : vector<256x256xi1>, vector<256x256xf32>
      %add3A_362 = arith.addf %add3A_343, %select_n3A_361 : vector<256x256xf32>
      %mul3A_363 = arith.constant 64 : i32
      %mul3A_364 = arith.muli %scan3A_156, %mul3A_363 : i32
      %add3A_365 = arith.constant 11 : i32
      %add3A_366 = arith.addi %mul3A_364, %add3A_365 : i32
      %roll3A_367 = tpu.dynamic_rotate %select_n3A by %add3A_366 dim 1 : vector<256x256xf32>, i32 -> vector<256x256xf32>
      %ge3A_368 = vector.broadcast %add3A_366 : i32 to vector<256x256xi32>
      %ge3A_369 = arith.cmpi sge, %iota3A, %ge3A_368 : vector<256x256xi32>
      %gt3A_370 = arith.cmpf ogt, %roll3A_367, %select_n3A : vector<256x256xf32>
      %eq3A_371 = arith.cmpf oeq, %roll3A_367, %select_n3A : vector<256x256xf32>
      %and3A_372 = arith.andi %eq3A_371, %ge3A_369 : vector<256x256xi1>
      %or3A_373 = arith.ori %gt3A_370, %and3A_372 : vector<256x256xi1>
      %convert_element_type3A_374 = arith.extui %or3A_373 : vector<256x256xi1> to vector<256x256xi32>
      %add3A_375 = arith.addi %add3A_356, %convert_element_type3A_374 : vector<256x256xi32>
      %sub3A_376 = arith.subf %roll3A_367, %select_n3A : vector<256x256xf32>
      %exp3A_377 = math.exp %sub3A_376 : vector<256x256xf32>
      %jit3A_378 = arith.constant 0.000000e+00 : f32
      %broadcast_in_dim3A_379 = vector.broadcast %jit3A_378 : f32 to vector<256x256xf32>
      %select_n3A_380 = arith.select %or3A_373, %broadcast_in_dim3A_379, %exp3A_377 : vector<256x256xi1>, vector<256x256xf32>
      %add3A_381 = arith.addf %add3A_362, %select_n3A_380 : vector<256x256xf32>
      %mul3A_382 = arith.constant 64 : i32
      %mul3A_383 = arith.muli %scan3A_156, %mul3A_382 : i32
      %add3A_384 = arith.constant 12 : i32
      %add3A_385 = arith.addi %mul3A_383, %add3A_384 : i32
      %roll3A_386 = tpu.dynamic_rotate %select_n3A by %add3A_385 dim 1 : vector<256x256xf32>, i32 -> vector<256x256xf32>
      %ge3A_387 = vector.broadcast %add3A_385 : i32 to vector<256x256xi32>
      %ge3A_388 = arith.cmpi sge, %iota3A, %ge3A_387 : vector<256x256xi32>
      %gt3A_389 = arith.cmpf ogt, %roll3A_386, %select_n3A : vector<256x256xf32>
      %eq3A_390 = arith.cmpf oeq, %roll3A_386, %select_n3A : vector<256x256xf32>
      %and3A_391 = arith.andi %eq3A_390, %ge3A_388 : vector<256x256xi1>
      %or3A_392 = arith.ori %gt3A_389, %and3A_391 : vector<256x256xi1>
      %convert_element_type3A_393 = arith.extui %or3A_392 : vector<256x256xi1> to vector<256x256xi32>
      %add3A_394 = arith.addi %add3A_375, %convert_element_type3A_393 : vector<256x256xi32>
      %sub3A_395 = arith.subf %roll3A_386, %select_n3A : vector<256x256xf32>
      %exp3A_396 = math.exp %sub3A_395 : vector<256x256xf32>
      %jit3A_397 = arith.constant 0.000000e+00 : f32
      %broadcast_in_dim3A_398 = vector.broadcast %jit3A_397 : f32 to vector<256x256xf32>
      %select_n3A_399 = arith.select %or3A_392, %broadcast_in_dim3A_398, %exp3A_396 : vector<256x256xi1>, vector<256x256xf32>
      %add3A_400 = arith.addf %add3A_381, %select_n3A_399 : vector<256x256xf32>
      %mul3A_401 = arith.constant 64 : i32
      %mul3A_402 = arith.muli %scan3A_156, %mul3A_401 : i32
      %add3A_403 = arith.constant 13 : i32
      %add3A_404 = arith.addi %mul3A_402, %add3A_403 : i32
      %roll3A_405 = tpu.dynamic_rotate %select_n3A by %add3A_404 dim 1 : vector<256x256xf32>, i32 -> vector<256x256xf32>
      %ge3A_406 = vector.broadcast %add3A_404 : i32 to vector<256x256xi32>
      %ge3A_407 = arith.cmpi sge, %iota3A, %ge3A_406 : vector<256x256xi32>
      %gt3A_408 = arith.cmpf ogt, %roll3A_405, %select_n3A : vector<256x256xf32>
      %eq3A_409 = arith.cmpf oeq, %roll3A_405, %select_n3A : vector<256x256xf32>
      %and3A_410 = arith.andi %eq3A_409, %ge3A_407 : vector<256x256xi1>
      %or3A_411 = arith.ori %gt3A_408, %and3A_410 : vector<256x256xi1>
      %convert_element_type3A_412 = arith.extui %or3A_411 : vector<256x256xi1> to vector<256x256xi32>
      %add3A_413 = arith.addi %add3A_394, %convert_element_type3A_412 : vector<256x256xi32>
      %sub3A_414 = arith.subf %roll3A_405, %select_n3A : vector<256x256xf32>
      %exp3A_415 = math.exp %sub3A_414 : vector<256x256xf32>
      %jit3A_416 = arith.constant 0.000000e+00 : f32
      %broadcast_in_dim3A_417 = vector.broadcast %jit3A_416 : f32 to vector<256x256xf32>
      %select_n3A_418 = arith.select %or3A_411, %broadcast_in_dim3A_417, %exp3A_415 : vector<256x256xi1>, vector<256x256xf32>
      %add3A_419 = arith.addf %add3A_400, %select_n3A_418 : vector<256x256xf32>
      %mul3A_420 = arith.constant 64 : i32
      %mul3A_421 = arith.muli %scan3A_156, %mul3A_420 : i32
      %add3A_422 = arith.constant 14 : i32
      %add3A_423 = arith.addi %mul3A_421, %add3A_422 : i32
      %roll3A_424 = tpu.dynamic_rotate %select_n3A by %add3A_423 dim 1 : vector<256x256xf32>, i32 -> vector<256x256xf32>
      %ge3A_425 = vector.broadcast %add3A_423 : i32 to vector<256x256xi32>
      %ge3A_426 = arith.cmpi sge, %iota3A, %ge3A_425 : vector<256x256xi32>
      %gt3A_427 = arith.cmpf ogt, %roll3A_424, %select_n3A : vector<256x256xf32>
      %eq3A_428 = arith.cmpf oeq, %roll3A_424, %select_n3A : vector<256x256xf32>
      %and3A_429 = arith.andi %eq3A_428, %ge3A_426 : vector<256x256xi1>
      %or3A_430 = arith.ori %gt3A_427, %and3A_429 : vector<256x256xi1>
      %convert_element_type3A_431 = arith.extui %or3A_430 : vector<256x256xi1> to vector<256x256xi32>
      %add3A_432 = arith.addi %add3A_413, %convert_element_type3A_431 : vector<256x256xi32>
      %sub3A_433 = arith.subf %roll3A_424, %select_n3A : vector<256x256xf32>
      %exp3A_434 = math.exp %sub3A_433 : vector<256x256xf32>
      %jit3A_435 = arith.constant 0.000000e+00 : f32
      %broadcast_in_dim3A_436 = vector.broadcast %jit3A_435 : f32 to vector<256x256xf32>
      %select_n3A_437 = arith.select %or3A_430, %broadcast_in_dim3A_436, %exp3A_434 : vector<256x256xi1>, vector<256x256xf32>
      %add3A_438 = arith.addf %add3A_419, %select_n3A_437 : vector<256x256xf32>
      %mul3A_439 = arith.constant 64 : i32
      %mul3A_440 = arith.muli %scan3A_156, %mul3A_439 : i32
      %add3A_441 = arith.constant 15 : i32
      %add3A_442 = arith.addi %mul3A_440, %add3A_441 : i32
      %roll3A_443 = tpu.dynamic_rotate %select_n3A by %add3A_442 dim 1 : vector<256x256xf32>, i32 -> vector<256x256xf32>
      %ge3A_444 = vector.broadcast %add3A_442 : i32 to vector<256x256xi32>
      %ge3A_445 = arith.cmpi sge, %iota3A, %ge3A_444 : vector<256x256xi32>
      %gt3A_446 = arith.cmpf ogt, %roll3A_443, %select_n3A : vector<256x256xf32>
      %eq3A_447 = arith.cmpf oeq, %roll3A_443, %select_n3A : vector<256x256xf32>
      %and3A_448 = arith.andi %eq3A_447, %ge3A_445 : vector<256x256xi1>
      %or3A_449 = arith.ori %gt3A_446, %and3A_448 : vector<256x256xi1>
      %convert_element_type3A_450 = arith.extui %or3A_449 : vector<256x256xi1> to vector<256x256xi32>
      %add3A_451 = arith.addi %add3A_432, %convert_element_type3A_450 : vector<256x256xi32>
      %sub3A_452 = arith.subf %roll3A_443, %select_n3A : vector<256x256xf32>
      %exp3A_453 = math.exp %sub3A_452 : vector<256x256xf32>
      %jit3A_454 = arith.constant 0.000000e+00 : f32
      %broadcast_in_dim3A_455 = vector.broadcast %jit3A_454 : f32 to vector<256x256xf32>
      %select_n3A_456 = arith.select %or3A_449, %broadcast_in_dim3A_455, %exp3A_453 : vector<256x256xi1>, vector<256x256xf32>
      %add3A_457 = arith.addf %add3A_438, %select_n3A_456 : vector<256x256xf32>
      %mul3A_458 = arith.constant 64 : i32
      %mul3A_459 = arith.muli %scan3A_156, %mul3A_458 : i32
      %add3A_460 = arith.constant 16 : i32
      %add3A_461 = arith.addi %mul3A_459, %add3A_460 : i32
      %roll3A_462 = tpu.dynamic_rotate %select_n3A by %add3A_461 dim 1 : vector<256x256xf32>, i32 -> vector<256x256xf32>
      %ge3A_463 = vector.broadcast %add3A_461 : i32 to vector<256x256xi32>
      %ge3A_464 = arith.cmpi sge, %iota3A, %ge3A_463 : vector<256x256xi32>
      %gt3A_465 = arith.cmpf ogt, %roll3A_462, %select_n3A : vector<256x256xf32>
      %eq3A_466 = arith.cmpf oeq, %roll3A_462, %select_n3A : vector<256x256xf32>
      %and3A_467 = arith.andi %eq3A_466, %ge3A_464 : vector<256x256xi1>
      %or3A_468 = arith.ori %gt3A_465, %and3A_467 : vector<256x256xi1>
      %convert_element_type3A_469 = arith.extui %or3A_468 : vector<256x256xi1> to vector<256x256xi32>
      %add3A_470 = arith.addi %add3A_451, %convert_element_type3A_469 : vector<256x256xi32>
      %sub3A_471 = arith.subf %roll3A_462, %select_n3A : vector<256x256xf32>
      %exp3A_472 = math.exp %sub3A_471 : vector<256x256xf32>
      %jit3A_473 = arith.constant 0.000000e+00 : f32
      %broadcast_in_dim3A_474 = vector.broadcast %jit3A_473 : f32 to vector<256x256xf32>
      %select_n3A_475 = arith.select %or3A_468, %broadcast_in_dim3A_474, %exp3A_472 : vector<256x256xi1>, vector<256x256xf32>
      %add3A_476 = arith.addf %add3A_457, %select_n3A_475 : vector<256x256xf32>
      %mul3A_477 = arith.constant 64 : i32
      %mul3A_478 = arith.muli %scan3A_156, %mul3A_477 : i32
      %add3A_479 = arith.constant 17 : i32
      %add3A_480 = arith.addi %mul3A_478, %add3A_479 : i32
      %roll3A_481 = tpu.dynamic_rotate %select_n3A by %add3A_480 dim 1 : vector<256x256xf32>, i32 -> vector<256x256xf32>
      %ge3A_482 = vector.broadcast %add3A_480 : i32 to vector<256x256xi32>
      %ge3A_483 = arith.cmpi sge, %iota3A, %ge3A_482 : vector<256x256xi32>
      %gt3A_484 = arith.cmpf ogt, %roll3A_481, %select_n3A : vector<256x256xf32>
      %eq3A_485 = arith.cmpf oeq, %roll3A_481, %select_n3A : vector<256x256xf32>
      %and3A_486 = arith.andi %eq3A_485, %ge3A_483 : vector<256x256xi1>
      %or3A_487 = arith.ori %gt3A_484, %and3A_486 : vector<256x256xi1>
      %convert_element_type3A_488 = arith.extui %or3A_487 : vector<256x256xi1> to vector<256x256xi32>
      %add3A_489 = arith.addi %add3A_470, %convert_element_type3A_488 : vector<256x256xi32>
      %sub3A_490 = arith.subf %roll3A_481, %select_n3A : vector<256x256xf32>
      %exp3A_491 = math.exp %sub3A_490 : vector<256x256xf32>
      %jit3A_492 = arith.constant 0.000000e+00 : f32
      %broadcast_in_dim3A_493 = vector.broadcast %jit3A_492 : f32 to vector<256x256xf32>
      %select_n3A_494 = arith.select %or3A_487, %broadcast_in_dim3A_493, %exp3A_491 : vector<256x256xi1>, vector<256x256xf32>
      %add3A_495 = arith.addf %add3A_476, %select_n3A_494 : vector<256x256xf32>
      %mul3A_496 = arith.constant 64 : i32
      %mul3A_497 = arith.muli %scan3A_156, %mul3A_496 : i32
      %add3A_498 = arith.constant 18 : i32
      %add3A_499 = arith.addi %mul3A_497, %add3A_498 : i32
      %roll3A_500 = tpu.dynamic_rotate %select_n3A by %add3A_499 dim 1 : vector<256x256xf32>, i32 -> vector<256x256xf32>
      %ge3A_501 = vector.broadcast %add3A_499 : i32 to vector<256x256xi32>
      %ge3A_502 = arith.cmpi sge, %iota3A, %ge3A_501 : vector<256x256xi32>
      %gt3A_503 = arith.cmpf ogt, %roll3A_500, %select_n3A : vector<256x256xf32>
      %eq3A_504 = arith.cmpf oeq, %roll3A_500, %select_n3A : vector<256x256xf32>
      %and3A_505 = arith.andi %eq3A_504, %ge3A_502 : vector<256x256xi1>
      %or3A_506 = arith.ori %gt3A_503, %and3A_505 : vector<256x256xi1>
      %convert_element_type3A_507 = arith.extui %or3A_506 : vector<256x256xi1> to vector<256x256xi32>
      %add3A_508 = arith.addi %add3A_489, %convert_element_type3A_507 : vector<256x256xi32>
      %sub3A_509 = arith.subf %roll3A_500, %select_n3A : vector<256x256xf32>
      %exp3A_510 = math.exp %sub3A_509 : vector<256x256xf32>
      %jit3A_511 = arith.constant 0.000000e+00 : f32
      %broadcast_in_dim3A_512 = vector.broadcast %jit3A_511 : f32 to vector<256x256xf32>
      %select_n3A_513 = arith.select %or3A_506, %broadcast_in_dim3A_512, %exp3A_510 : vector<256x256xi1>, vector<256x256xf32>
      %add3A_514 = arith.addf %add3A_495, %select_n3A_513 : vector<256x256xf32>
      %mul3A_515 = arith.constant 64 : i32
      %mul3A_516 = arith.muli %scan3A_156, %mul3A_515 : i32
      %add3A_517 = arith.constant 19 : i32
      %add3A_518 = arith.addi %mul3A_516, %add3A_517 : i32
      %roll3A_519 = tpu.dynamic_rotate %select_n3A by %add3A_518 dim 1 : vector<256x256xf32>, i32 -> vector<256x256xf32>
      %ge3A_520 = vector.broadcast %add3A_518 : i32 to vector<256x256xi32>
      %ge3A_521 = arith.cmpi sge, %iota3A, %ge3A_520 : vector<256x256xi32>
      %gt3A_522 = arith.cmpf ogt, %roll3A_519, %select_n3A : vector<256x256xf32>
      %eq3A_523 = arith.cmpf oeq, %roll3A_519, %select_n3A : vector<256x256xf32>
      %and3A_524 = arith.andi %eq3A_523, %ge3A_521 : vector<256x256xi1>
      %or3A_525 = arith.ori %gt3A_522, %and3A_524 : vector<256x256xi1>
      %convert_element_type3A_526 = arith.extui %or3A_525 : vector<256x256xi1> to vector<256x256xi32>
      %add3A_527 = arith.addi %add3A_508, %convert_element_type3A_526 : vector<256x256xi32>
      %sub3A_528 = arith.subf %roll3A_519, %select_n3A : vector<256x256xf32>
      %exp3A_529 = math.exp %sub3A_528 : vector<256x256xf32>
      %jit3A_530 = arith.constant 0.000000e+00 : f32
      %broadcast_in_dim3A_531 = vector.broadcast %jit3A_530 : f32 to vector<256x256xf32>
      %select_n3A_532 = arith.select %or3A_525, %broadcast_in_dim3A_531, %exp3A_529 : vector<256x256xi1>, vector<256x256xf32>
      %add3A_533 = arith.addf %add3A_514, %select_n3A_532 : vector<256x256xf32>
      %mul3A_534 = arith.constant 64 : i32
      %mul3A_535 = arith.muli %scan3A_156, %mul3A_534 : i32
      %add3A_536 = arith.constant 20 : i32
      %add3A_537 = arith.addi %mul3A_535, %add3A_536 : i32
      %roll3A_538 = tpu.dynamic_rotate %select_n3A by %add3A_537 dim 1 : vector<256x256xf32>, i32 -> vector<256x256xf32>
      %ge3A_539 = vector.broadcast %add3A_537 : i32 to vector<256x256xi32>
      %ge3A_540 = arith.cmpi sge, %iota3A, %ge3A_539 : vector<256x256xi32>
      %gt3A_541 = arith.cmpf ogt, %roll3A_538, %select_n3A : vector<256x256xf32>
      %eq3A_542 = arith.cmpf oeq, %roll3A_538, %select_n3A : vector<256x256xf32>
      %and3A_543 = arith.andi %eq3A_542, %ge3A_540 : vector<256x256xi1>
      %or3A_544 = arith.ori %gt3A_541, %and3A_543 : vector<256x256xi1>
      %convert_element_type3A_545 = arith.extui %or3A_544 : vector<256x256xi1> to vector<256x256xi32>
      %add3A_546 = arith.addi %add3A_527, %convert_element_type3A_545 : vector<256x256xi32>
      %sub3A_547 = arith.subf %roll3A_538, %select_n3A : vector<256x256xf32>
      %exp3A_548 = math.exp %sub3A_547 : vector<256x256xf32>
      %jit3A_549 = arith.constant 0.000000e+00 : f32
      %broadcast_in_dim3A_550 = vector.broadcast %jit3A_549 : f32 to vector<256x256xf32>
      %select_n3A_551 = arith.select %or3A_544, %broadcast_in_dim3A_550, %exp3A_548 : vector<256x256xi1>, vector<256x256xf32>
      %add3A_552 = arith.addf %add3A_533, %select_n3A_551 : vector<256x256xf32>
      %mul3A_553 = arith.constant 64 : i32
      %mul3A_554 = arith.muli %scan3A_156, %mul3A_553 : i32
      %add3A_555 = arith.constant 21 : i32
      %add3A_556 = arith.addi %mul3A_554, %add3A_555 : i32
      %roll3A_557 = tpu.dynamic_rotate %select_n3A by %add3A_556 dim 1 : vector<256x256xf32>, i32 -> vector<256x256xf32>
      %ge3A_558 = vector.broadcast %add3A_556 : i32 to vector<256x256xi32>
      %ge3A_559 = arith.cmpi sge, %iota3A, %ge3A_558 : vector<256x256xi32>
      %gt3A_560 = arith.cmpf ogt, %roll3A_557, %select_n3A : vector<256x256xf32>
      %eq3A_561 = arith.cmpf oeq, %roll3A_557, %select_n3A : vector<256x256xf32>
      %and3A_562 = arith.andi %eq3A_561, %ge3A_559 : vector<256x256xi1>
      %or3A_563 = arith.ori %gt3A_560, %and3A_562 : vector<256x256xi1>
      %convert_element_type3A_564 = arith.extui %or3A_563 : vector<256x256xi1> to vector<256x256xi32>
      %add3A_565 = arith.addi %add3A_546, %convert_element_type3A_564 : vector<256x256xi32>
      %sub3A_566 = arith.subf %roll3A_557, %select_n3A : vector<256x256xf32>
      %exp3A_567 = math.exp %sub3A_566 : vector<256x256xf32>
      %jit3A_568 = arith.constant 0.000000e+00 : f32
      %broadcast_in_dim3A_569 = vector.broadcast %jit3A_568 : f32 to vector<256x256xf32>
      %select_n3A_570 = arith.select %or3A_563, %broadcast_in_dim3A_569, %exp3A_567 : vector<256x256xi1>, vector<256x256xf32>
      %add3A_571 = arith.addf %add3A_552, %select_n3A_570 : vector<256x256xf32>
      %mul3A_572 = arith.constant 64 : i32
      %mul3A_573 = arith.muli %scan3A_156, %mul3A_572 : i32
      %add3A_574 = arith.constant 22 : i32
      %add3A_575 = arith.addi %mul3A_573, %add3A_574 : i32
      %roll3A_576 = tpu.dynamic_rotate %select_n3A by %add3A_575 dim 1 : vector<256x256xf32>, i32 -> vector<256x256xf32>
      %ge3A_577 = vector.broadcast %add3A_575 : i32 to vector<256x256xi32>
      %ge3A_578 = arith.cmpi sge, %iota3A, %ge3A_577 : vector<256x256xi32>
      %gt3A_579 = arith.cmpf ogt, %roll3A_576, %select_n3A : vector<256x256xf32>
      %eq3A_580 = arith.cmpf oeq, %roll3A_576, %select_n3A : vector<256x256xf32>
      %and3A_581 = arith.andi %eq3A_580, %ge3A_578 : vector<256x256xi1>
      %or3A_582 = arith.ori %gt3A_579, %and3A_581 : vector<256x256xi1>
      %convert_element_type3A_583 = arith.extui %or3A_582 : vector<256x256xi1> to vector<256x256xi32>
      %add3A_584 = arith.addi %add3A_565, %convert_element_type3A_583 : vector<256x256xi32>
      %sub3A_585 = arith.subf %roll3A_576, %select_n3A : vector<256x256xf32>
      %exp3A_586 = math.exp %sub3A_585 : vector<256x256xf32>
      %jit3A_587 = arith.constant 0.000000e+00 : f32
      %broadcast_in_dim3A_588 = vector.broadcast %jit3A_587 : f32 to vector<256x256xf32>
      %select_n3A_589 = arith.select %or3A_582, %broadcast_in_dim3A_588, %exp3A_586 : vector<256x256xi1>, vector<256x256xf32>
      %add3A_590 = arith.addf %add3A_571, %select_n3A_589 : vector<256x256xf32>
      %mul3A_591 = arith.constant 64 : i32
      %mul3A_592 = arith.muli %scan3A_156, %mul3A_591 : i32
      %add3A_593 = arith.constant 23 : i32
      %add3A_594 = arith.addi %mul3A_592, %add3A_593 : i32
      %roll3A_595 = tpu.dynamic_rotate %select_n3A by %add3A_594 dim 1 : vector<256x256xf32>, i32 -> vector<256x256xf32>
      %ge3A_596 = vector.broadcast %add3A_594 : i32 to vector<256x256xi32>
      %ge3A_597 = arith.cmpi sge, %iota3A, %ge3A_596 : vector<256x256xi32>
      %gt3A_598 = arith.cmpf ogt, %roll3A_595, %select_n3A : vector<256x256xf32>
      %eq3A_599 = arith.cmpf oeq, %roll3A_595, %select_n3A : vector<256x256xf32>
      %and3A_600 = arith.andi %eq3A_599, %ge3A_597 : vector<256x256xi1>
      %or3A_601 = arith.ori %gt3A_598, %and3A_600 : vector<256x256xi1>
      %convert_element_type3A_602 = arith.extui %or3A_601 : vector<256x256xi1> to vector<256x256xi32>
      %add3A_603 = arith.addi %add3A_584, %convert_element_type3A_602 : vector<256x256xi32>
      %sub3A_604 = arith.subf %roll3A_595, %select_n3A : vector<256x256xf32>
      %exp3A_605 = math.exp %sub3A_604 : vector<256x256xf32>
      %jit3A_606 = arith.constant 0.000000e+00 : f32
      %broadcast_in_dim3A_607 = vector.broadcast %jit3A_606 : f32 to vector<256x256xf32>
      %select_n3A_608 = arith.select %or3A_601, %broadcast_in_dim3A_607, %exp3A_605 : vector<256x256xi1>, vector<256x256xf32>
      %add3A_609 = arith.addf %add3A_590, %select_n3A_608 : vector<256x256xf32>
      %mul3A_610 = arith.constant 64 : i32
      %mul3A_611 = arith.muli %scan3A_156, %mul3A_610 : i32
      %add3A_612 = arith.constant 24 : i32
      %add3A_613 = arith.addi %mul3A_611, %add3A_612 : i32
      %roll3A_614 = tpu.dynamic_rotate %select_n3A by %add3A_613 dim 1 : vector<256x256xf32>, i32 -> vector<256x256xf32>
      %ge3A_615 = vector.broadcast %add3A_613 : i32 to vector<256x256xi32>
      %ge3A_616 = arith.cmpi sge, %iota3A, %ge3A_615 : vector<256x256xi32>
      %gt3A_617 = arith.cmpf ogt, %roll3A_614, %select_n3A : vector<256x256xf32>
      %eq3A_618 = arith.cmpf oeq, %roll3A_614, %select_n3A : vector<256x256xf32>
      %and3A_619 = arith.andi %eq3A_618, %ge3A_616 : vector<256x256xi1>
      %or3A_620 = arith.ori %gt3A_617, %and3A_619 : vector<256x256xi1>
      %convert_element_type3A_621 = arith.extui %or3A_620 : vector<256x256xi1> to vector<256x256xi32>
      %add3A_622 = arith.addi %add3A_603, %convert_element_type3A_621 : vector<256x256xi32>
      %sub3A_623 = arith.subf %roll3A_614, %select_n3A : vector<256x256xf32>
      %exp3A_624 = math.exp %sub3A_623 : vector<256x256xf32>
      %jit3A_625 = arith.constant 0.000000e+00 : f32
      %broadcast_in_dim3A_626 = vector.broadcast %jit3A_625 : f32 to vector<256x256xf32>
      %select_n3A_627 = arith.select %or3A_620, %broadcast_in_dim3A_626, %exp3A_624 : vector<256x256xi1>, vector<256x256xf32>
      %add3A_628 = arith.addf %add3A_609, %select_n3A_627 : vector<256x256xf32>
      %mul3A_629 = arith.constant 64 : i32
      %mul3A_630 = arith.muli %scan3A_156, %mul3A_629 : i32
      %add3A_631 = arith.constant 25 : i32
      %add3A_632 = arith.addi %mul3A_630, %add3A_631 : i32
      %roll3A_633 = tpu.dynamic_rotate %select_n3A by %add3A_632 dim 1 : vector<256x256xf32>, i32 -> vector<256x256xf32>
      %ge3A_634 = vector.broadcast %add3A_632 : i32 to vector<256x256xi32>
      %ge3A_635 = arith.cmpi sge, %iota3A, %ge3A_634 : vector<256x256xi32>
      %gt3A_636 = arith.cmpf ogt, %roll3A_633, %select_n3A : vector<256x256xf32>
      %eq3A_637 = arith.cmpf oeq, %roll3A_633, %select_n3A : vector<256x256xf32>
      %and3A_638 = arith.andi %eq3A_637, %ge3A_635 : vector<256x256xi1>
      %or3A_639 = arith.ori %gt3A_636, %and3A_638 : vector<256x256xi1>
      %convert_element_type3A_640 = arith.extui %or3A_639 : vector<256x256xi1> to vector<256x256xi32>
      %add3A_641 = arith.addi %add3A_622, %convert_element_type3A_640 : vector<256x256xi32>
      %sub3A_642 = arith.subf %roll3A_633, %select_n3A : vector<256x256xf32>
      %exp3A_643 = math.exp %sub3A_642 : vector<256x256xf32>
      %jit3A_644 = arith.constant 0.000000e+00 : f32
      %broadcast_in_dim3A_645 = vector.broadcast %jit3A_644 : f32 to vector<256x256xf32>
      %select_n3A_646 = arith.select %or3A_639, %broadcast_in_dim3A_645, %exp3A_643 : vector<256x256xi1>, vector<256x256xf32>
      %add3A_647 = arith.addf %add3A_628, %select_n3A_646 : vector<256x256xf32>
      %mul3A_648 = arith.constant 64 : i32
      %mul3A_649 = arith.muli %scan3A_156, %mul3A_648 : i32
      %add3A_650 = arith.constant 26 : i32
      %add3A_651 = arith.addi %mul3A_649, %add3A_650 : i32
      %roll3A_652 = tpu.dynamic_rotate %select_n3A by %add3A_651 dim 1 : vector<256x256xf32>, i32 -> vector<256x256xf32>
      %ge3A_653 = vector.broadcast %add3A_651 : i32 to vector<256x256xi32>
      %ge3A_654 = arith.cmpi sge, %iota3A, %ge3A_653 : vector<256x256xi32>
      %gt3A_655 = arith.cmpf ogt, %roll3A_652, %select_n3A : vector<256x256xf32>
      %eq3A_656 = arith.cmpf oeq, %roll3A_652, %select_n3A : vector<256x256xf32>
      %and3A_657 = arith.andi %eq3A_656, %ge3A_654 : vector<256x256xi1>
      %or3A_658 = arith.ori %gt3A_655, %and3A_657 : vector<256x256xi1>
      %convert_element_type3A_659 = arith.extui %or3A_658 : vector<256x256xi1> to vector<256x256xi32>
      %add3A_660 = arith.addi %add3A_641, %convert_element_type3A_659 : vector<256x256xi32>
      %sub3A_661 = arith.subf %roll3A_652, %select_n3A : vector<256x256xf32>
      %exp3A_662 = math.exp %sub3A_661 : vector<256x256xf32>
      %jit3A_663 = arith.constant 0.000000e+00 : f32
      %broadcast_in_dim3A_664 = vector.broadcast %jit3A_663 : f32 to vector<256x256xf32>
      %select_n3A_665 = arith.select %or3A_658, %broadcast_in_dim3A_664, %exp3A_662 : vector<256x256xi1>, vector<256x256xf32>
      %add3A_666 = arith.addf %add3A_647, %select_n3A_665 : vector<256x256xf32>
      %mul3A_667 = arith.constant 64 : i32
      %mul3A_668 = arith.muli %scan3A_156, %mul3A_667 : i32
      %add3A_669 = arith.constant 27 : i32
      %add3A_670 = arith.addi %mul3A_668, %add3A_669 : i32
      %roll3A_671 = tpu.dynamic_rotate %select_n3A by %add3A_670 dim 1 : vector<256x256xf32>, i32 -> vector<256x256xf32>
      %ge3A_672 = vector.broadcast %add3A_670 : i32 to vector<256x256xi32>
      %ge3A_673 = arith.cmpi sge, %iota3A, %ge3A_672 : vector<256x256xi32>
      %gt3A_674 = arith.cmpf ogt, %roll3A_671, %select_n3A : vector<256x256xf32>
      %eq3A_675 = arith.cmpf oeq, %roll3A_671, %select_n3A : vector<256x256xf32>
      %and3A_676 = arith.andi %eq3A_675, %ge3A_673 : vector<256x256xi1>
      %or3A_677 = arith.ori %gt3A_674, %and3A_676 : vector<256x256xi1>
      %convert_element_type3A_678 = arith.extui %or3A_677 : vector<256x256xi1> to vector<256x256xi32>
      %add3A_679 = arith.addi %add3A_660, %convert_element_type3A_678 : vector<256x256xi32>
      %sub3A_680 = arith.subf %roll3A_671, %select_n3A : vector<256x256xf32>
      %exp3A_681 = math.exp %sub3A_680 : vector<256x256xf32>
      %jit3A_682 = arith.constant 0.000000e+00 : f32
      %broadcast_in_dim3A_683 = vector.broadcast %jit3A_682 : f32 to vector<256x256xf32>
      %select_n3A_684 = arith.select %or3A_677, %broadcast_in_dim3A_683, %exp3A_681 : vector<256x256xi1>, vector<256x256xf32>
      %add3A_685 = arith.addf %add3A_666, %select_n3A_684 : vector<256x256xf32>
      %mul3A_686 = arith.constant 64 : i32
      %mul3A_687 = arith.muli %scan3A_156, %mul3A_686 : i32
      %add3A_688 = arith.constant 28 : i32
      %add3A_689 = arith.addi %mul3A_687, %add3A_688 : i32
      %roll3A_690 = tpu.dynamic_rotate %select_n3A by %add3A_689 dim 1 : vector<256x256xf32>, i32 -> vector<256x256xf32>
      %ge3A_691 = vector.broadcast %add3A_689 : i32 to vector<256x256xi32>
      %ge3A_692 = arith.cmpi sge, %iota3A, %ge3A_691 : vector<256x256xi32>
      %gt3A_693 = arith.cmpf ogt, %roll3A_690, %select_n3A : vector<256x256xf32>
      %eq3A_694 = arith.cmpf oeq, %roll3A_690, %select_n3A : vector<256x256xf32>
      %and3A_695 = arith.andi %eq3A_694, %ge3A_692 : vector<256x256xi1>
      %or3A_696 = arith.ori %gt3A_693, %and3A_695 : vector<256x256xi1>
      %convert_element_type3A_697 = arith.extui %or3A_696 : vector<256x256xi1> to vector<256x256xi32>
      %add3A_698 = arith.addi %add3A_679, %convert_element_type3A_697 : vector<256x256xi32>
      %sub3A_699 = arith.subf %roll3A_690, %select_n3A : vector<256x256xf32>
      %exp3A_700 = math.exp %sub3A_699 : vector<256x256xf32>
      %jit3A_701 = arith.constant 0.000000e+00 : f32
      %broadcast_in_dim3A_702 = vector.broadcast %jit3A_701 : f32 to vector<256x256xf32>
      %select_n3A_703 = arith.select %or3A_696, %broadcast_in_dim3A_702, %exp3A_700 : vector<256x256xi1>, vector<256x256xf32>
      %add3A_704 = arith.addf %add3A_685, %select_n3A_703 : vector<256x256xf32>
      %mul3A_705 = arith.constant 64 : i32
      %mul3A_706 = arith.muli %scan3A_156, %mul3A_705 : i32
      %add3A_707 = arith.constant 29 : i32
      %add3A_708 = arith.addi %mul3A_706, %add3A_707 : i32
      %roll3A_709 = tpu.dynamic_rotate %select_n3A by %add3A_708 dim 1 : vector<256x256xf32>, i32 -> vector<256x256xf32>
      %ge3A_710 = vector.broadcast %add3A_708 : i32 to vector<256x256xi32>
      %ge3A_711 = arith.cmpi sge, %iota3A, %ge3A_710 : vector<256x256xi32>
      %gt3A_712 = arith.cmpf ogt, %roll3A_709, %select_n3A : vector<256x256xf32>
      %eq3A_713 = arith.cmpf oeq, %roll3A_709, %select_n3A : vector<256x256xf32>
      %and3A_714 = arith.andi %eq3A_713, %ge3A_711 : vector<256x256xi1>
      %or3A_715 = arith.ori %gt3A_712, %and3A_714 : vector<256x256xi1>
      %convert_element_type3A_716 = arith.extui %or3A_715 : vector<256x256xi1> to vector<256x256xi32>
      %add3A_717 = arith.addi %add3A_698, %convert_element_type3A_716 : vector<256x256xi32>
      %sub3A_718 = arith.subf %roll3A_709, %select_n3A : vector<256x256xf32>
      %exp3A_719 = math.exp %sub3A_718 : vector<256x256xf32>
      %jit3A_720 = arith.constant 0.000000e+00 : f32
      %broadcast_in_dim3A_721 = vector.broadcast %jit3A_720 : f32 to vector<256x256xf32>
      %select_n3A_722 = arith.select %or3A_715, %broadcast_in_dim3A_721, %exp3A_719 : vector<256x256xi1>, vector<256x256xf32>
      %add3A_723 = arith.addf %add3A_704, %select_n3A_722 : vector<256x256xf32>
      %mul3A_724 = arith.constant 64 : i32
      %mul3A_725 = arith.muli %scan3A_156, %mul3A_724 : i32
      %add3A_726 = arith.constant 30 : i32
      %add3A_727 = arith.addi %mul3A_725, %add3A_726 : i32
      %roll3A_728 = tpu.dynamic_rotate %select_n3A by %add3A_727 dim 1 : vector<256x256xf32>, i32 -> vector<256x256xf32>
      %ge3A_729 = vector.broadcast %add3A_727 : i32 to vector<256x256xi32>
      %ge3A_730 = arith.cmpi sge, %iota3A, %ge3A_729 : vector<256x256xi32>
      %gt3A_731 = arith.cmpf ogt, %roll3A_728, %select_n3A : vector<256x256xf32>
      %eq3A_732 = arith.cmpf oeq, %roll3A_728, %select_n3A : vector<256x256xf32>
      %and3A_733 = arith.andi %eq3A_732, %ge3A_730 : vector<256x256xi1>
      %or3A_734 = arith.ori %gt3A_731, %and3A_733 : vector<256x256xi1>
      %convert_element_type3A_735 = arith.extui %or3A_734 : vector<256x256xi1> to vector<256x256xi32>
      %add3A_736 = arith.addi %add3A_717, %convert_element_type3A_735 : vector<256x256xi32>
      %sub3A_737 = arith.subf %roll3A_728, %select_n3A : vector<256x256xf32>
      %exp3A_738 = math.exp %sub3A_737 : vector<256x256xf32>
      %jit3A_739 = arith.constant 0.000000e+00 : f32
      %broadcast_in_dim3A_740 = vector.broadcast %jit3A_739 : f32 to vector<256x256xf32>
      %select_n3A_741 = arith.select %or3A_734, %broadcast_in_dim3A_740, %exp3A_738 : vector<256x256xi1>, vector<256x256xf32>
      %add3A_742 = arith.addf %add3A_723, %select_n3A_741 : vector<256x256xf32>
      %mul3A_743 = arith.constant 64 : i32
      %mul3A_744 = arith.muli %scan3A_156, %mul3A_743 : i32
      %add3A_745 = arith.constant 31 : i32
      %add3A_746 = arith.addi %mul3A_744, %add3A_745 : i32
      %roll3A_747 = tpu.dynamic_rotate %select_n3A by %add3A_746 dim 1 : vector<256x256xf32>, i32 -> vector<256x256xf32>
      %ge3A_748 = vector.broadcast %add3A_746 : i32 to vector<256x256xi32>
      %ge3A_749 = arith.cmpi sge, %iota3A, %ge3A_748 : vector<256x256xi32>
      %gt3A_750 = arith.cmpf ogt, %roll3A_747, %select_n3A : vector<256x256xf32>
      %eq3A_751 = arith.cmpf oeq, %roll3A_747, %select_n3A : vector<256x256xf32>
      %and3A_752 = arith.andi %eq3A_751, %ge3A_749 : vector<256x256xi1>
      %or3A_753 = arith.ori %gt3A_750, %and3A_752 : vector<256x256xi1>
      %convert_element_type3A_754 = arith.extui %or3A_753 : vector<256x256xi1> to vector<256x256xi32>
      %add3A_755 = arith.addi %add3A_736, %convert_element_type3A_754 : vector<256x256xi32>
      %sub3A_756 = arith.subf %roll3A_747, %select_n3A : vector<256x256xf32>
      %exp3A_757 = math.exp %sub3A_756 : vector<256x256xf32>
      %jit3A_758 = arith.constant 0.000000e+00 : f32
      %broadcast_in_dim3A_759 = vector.broadcast %jit3A_758 : f32 to vector<256x256xf32>
      %select_n3A_760 = arith.select %or3A_753, %broadcast_in_dim3A_759, %exp3A_757 : vector<256x256xi1>, vector<256x256xf32>
      %add3A_761 = arith.addf %add3A_742, %select_n3A_760 : vector<256x256xf32>
      %mul3A_762 = arith.constant 64 : i32
      %mul3A_763 = arith.muli %scan3A_156, %mul3A_762 : i32
      %add3A_764 = arith.constant 32 : i32
      %add3A_765 = arith.addi %mul3A_763, %add3A_764 : i32
      %roll3A_766 = tpu.dynamic_rotate %select_n3A by %add3A_765 dim 1 : vector<256x256xf32>, i32 -> vector<256x256xf32>
      %ge3A_767 = vector.broadcast %add3A_765 : i32 to vector<256x256xi32>
      %ge3A_768 = arith.cmpi sge, %iota3A, %ge3A_767 : vector<256x256xi32>
      %gt3A_769 = arith.cmpf ogt, %roll3A_766, %select_n3A : vector<256x256xf32>
      %eq3A_770 = arith.cmpf oeq, %roll3A_766, %select_n3A : vector<256x256xf32>
      %and3A_771 = arith.andi %eq3A_770, %ge3A_768 : vector<256x256xi1>
      %or3A_772 = arith.ori %gt3A_769, %and3A_771 : vector<256x256xi1>
      %convert_element_type3A_773 = arith.extui %or3A_772 : vector<256x256xi1> to vector<256x256xi32>
      %add3A_774 = arith.addi %add3A_755, %convert_element_type3A_773 : vector<256x256xi32>
      %sub3A_775 = arith.subf %roll3A_766, %select_n3A : vector<256x256xf32>
      %exp3A_776 = math.exp %sub3A_775 : vector<256x256xf32>
      %jit3A_777 = arith.constant 0.000000e+00 : f32
      %broadcast_in_dim3A_778 = vector.broadcast %jit3A_777 : f32 to vector<256x256xf32>
      %select_n3A_779 = arith.select %or3A_772, %broadcast_in_dim3A_778, %exp3A_776 : vector<256x256xi1>, vector<256x256xf32>
      %add3A_780 = arith.addf %add3A_761, %select_n3A_779 : vector<256x256xf32>
      %mul3A_781 = arith.constant 64 : i32
      %mul3A_782 = arith.muli %scan3A_156, %mul3A_781 : i32
      %add3A_783 = arith.constant 33 : i32
      %add3A_784 = arith.addi %mul3A_782, %add3A_783 : i32
      %roll3A_785 = tpu.dynamic_rotate %select_n3A by %add3A_784 dim 1 : vector<256x256xf32>, i32 -> vector<256x256xf32>
      %ge3A_786 = vector.broadcast %add3A_784 : i32 to vector<256x256xi32>
      %ge3A_787 = arith.cmpi sge, %iota3A, %ge3A_786 : vector<256x256xi32>
      %gt3A_788 = arith.cmpf ogt, %roll3A_785, %select_n3A : vector<256x256xf32>
      %eq3A_789 = arith.cmpf oeq, %roll3A_785, %select_n3A : vector<256x256xf32>
      %and3A_790 = arith.andi %eq3A_789, %ge3A_787 : vector<256x256xi1>
      %or3A_791 = arith.ori %gt3A_788, %and3A_790 : vector<256x256xi1>
      %convert_element_type3A_792 = arith.extui %or3A_791 : vector<256x256xi1> to vector<256x256xi32>
      %add3A_793 = arith.addi %add3A_774, %convert_element_type3A_792 : vector<256x256xi32>
      %sub3A_794 = arith.subf %roll3A_785, %select_n3A : vector<256x256xf32>
      %exp3A_795 = math.exp %sub3A_794 : vector<256x256xf32>
      %jit3A_796 = arith.constant 0.000000e+00 : f32
      %broadcast_in_dim3A_797 = vector.broadcast %jit3A_796 : f32 to vector<256x256xf32>
      %select_n3A_798 = arith.select %or3A_791, %broadcast_in_dim3A_797, %exp3A_795 : vector<256x256xi1>, vector<256x256xf32>
      %add3A_799 = arith.addf %add3A_780, %select_n3A_798 : vector<256x256xf32>
      %mul3A_800 = arith.constant 64 : i32
      %mul3A_801 = arith.muli %scan3A_156, %mul3A_800 : i32
      %add3A_802 = arith.constant 34 : i32
      %add3A_803 = arith.addi %mul3A_801, %add3A_802 : i32
      %roll3A_804 = tpu.dynamic_rotate %select_n3A by %add3A_803 dim 1 : vector<256x256xf32>, i32 -> vector<256x256xf32>
      %ge3A_805 = vector.broadcast %add3A_803 : i32 to vector<256x256xi32>
      %ge3A_806 = arith.cmpi sge, %iota3A, %ge3A_805 : vector<256x256xi32>
      %gt3A_807 = arith.cmpf ogt, %roll3A_804, %select_n3A : vector<256x256xf32>
      %eq3A_808 = arith.cmpf oeq, %roll3A_804, %select_n3A : vector<256x256xf32>
      %and3A_809 = arith.andi %eq3A_808, %ge3A_806 : vector<256x256xi1>
      %or3A_810 = arith.ori %gt3A_807, %and3A_809 : vector<256x256xi1>
      %convert_element_type3A_811 = arith.extui %or3A_810 : vector<256x256xi1> to vector<256x256xi32>
      %add3A_812 = arith.addi %add3A_793, %convert_element_type3A_811 : vector<256x256xi32>
      %sub3A_813 = arith.subf %roll3A_804, %select_n3A : vector<256x256xf32>
      %exp3A_814 = math.exp %sub3A_813 : vector<256x256xf32>
      %jit3A_815 = arith.constant 0.000000e+00 : f32
      %broadcast_in_dim3A_816 = vector.broadcast %jit3A_815 : f32 to vector<256x256xf32>
      %select_n3A_817 = arith.select %or3A_810, %broadcast_in_dim3A_816, %exp3A_814 : vector<256x256xi1>, vector<256x256xf32>
      %add3A_818 = arith.addf %add3A_799, %select_n3A_817 : vector<256x256xf32>
      %mul3A_819 = arith.constant 64 : i32
      %mul3A_820 = arith.muli %scan3A_156, %mul3A_819 : i32
      %add3A_821 = arith.constant 35 : i32
      %add3A_822 = arith.addi %mul3A_820, %add3A_821 : i32
      %roll3A_823 = tpu.dynamic_rotate %select_n3A by %add3A_822 dim 1 : vector<256x256xf32>, i32 -> vector<256x256xf32>
      %ge3A_824 = vector.broadcast %add3A_822 : i32 to vector<256x256xi32>
      %ge3A_825 = arith.cmpi sge, %iota3A, %ge3A_824 : vector<256x256xi32>
      %gt3A_826 = arith.cmpf ogt, %roll3A_823, %select_n3A : vector<256x256xf32>
      %eq3A_827 = arith.cmpf oeq, %roll3A_823, %select_n3A : vector<256x256xf32>
      %and3A_828 = arith.andi %eq3A_827, %ge3A_825 : vector<256x256xi1>
      %or3A_829 = arith.ori %gt3A_826, %and3A_828 : vector<256x256xi1>
      %convert_element_type3A_830 = arith.extui %or3A_829 : vector<256x256xi1> to vector<256x256xi32>
      %add3A_831 = arith.addi %add3A_812, %convert_element_type3A_830 : vector<256x256xi32>
      %sub3A_832 = arith.subf %roll3A_823, %select_n3A : vector<256x256xf32>
      %exp3A_833 = math.exp %sub3A_832 : vector<256x256xf32>
      %jit3A_834 = arith.constant 0.000000e+00 : f32
      %broadcast_in_dim3A_835 = vector.broadcast %jit3A_834 : f32 to vector<256x256xf32>
      %select_n3A_836 = arith.select %or3A_829, %broadcast_in_dim3A_835, %exp3A_833 : vector<256x256xi1>, vector<256x256xf32>
      %add3A_837 = arith.addf %add3A_818, %select_n3A_836 : vector<256x256xf32>
      %mul3A_838 = arith.constant 64 : i32
      %mul3A_839 = arith.muli %scan3A_156, %mul3A_838 : i32
      %add3A_840 = arith.constant 36 : i32
      %add3A_841 = arith.addi %mul3A_839, %add3A_840 : i32
      %roll3A_842 = tpu.dynamic_rotate %select_n3A by %add3A_841 dim 1 : vector<256x256xf32>, i32 -> vector<256x256xf32>
      %ge3A_843 = vector.broadcast %add3A_841 : i32 to vector<256x256xi32>
      %ge3A_844 = arith.cmpi sge, %iota3A, %ge3A_843 : vector<256x256xi32>
      %gt3A_845 = arith.cmpf ogt, %roll3A_842, %select_n3A : vector<256x256xf32>
      %eq3A_846 = arith.cmpf oeq, %roll3A_842, %select_n3A : vector<256x256xf32>
      %and3A_847 = arith.andi %eq3A_846, %ge3A_844 : vector<256x256xi1>
      %or3A_848 = arith.ori %gt3A_845, %and3A_847 : vector<256x256xi1>
      %convert_element_type3A_849 = arith.extui %or3A_848 : vector<256x256xi1> to vector<256x256xi32>
      %add3A_850 = arith.addi %add3A_831, %convert_element_type3A_849 : vector<256x256xi32>
      %sub3A_851 = arith.subf %roll3A_842, %select_n3A : vector<256x256xf32>
      %exp3A_852 = math.exp %sub3A_851 : vector<256x256xf32>
      %jit3A_853 = arith.constant 0.000000e+00 : f32
      %broadcast_in_dim3A_854 = vector.broadcast %jit3A_853 : f32 to vector<256x256xf32>
      %select_n3A_855 = arith.select %or3A_848, %broadcast_in_dim3A_854, %exp3A_852 : vector<256x256xi1>, vector<256x256xf32>
      %add3A_856 = arith.addf %add3A_837, %select_n3A_855 : vector<256x256xf32>
      %mul3A_857 = arith.constant 64 : i32
      %mul3A_858 = arith.muli %scan3A_156, %mul3A_857 : i32
      %add3A_859 = arith.constant 37 : i32
      %add3A_860 = arith.addi %mul3A_858, %add3A_859 : i32
      %roll3A_861 = tpu.dynamic_rotate %select_n3A by %add3A_860 dim 1 : vector<256x256xf32>, i32 -> vector<256x256xf32>
      %ge3A_862 = vector.broadcast %add3A_860 : i32 to vector<256x256xi32>
      %ge3A_863 = arith.cmpi sge, %iota3A, %ge3A_862 : vector<256x256xi32>
      %gt3A_864 = arith.cmpf ogt, %roll3A_861, %select_n3A : vector<256x256xf32>
      %eq3A_865 = arith.cmpf oeq, %roll3A_861, %select_n3A : vector<256x256xf32>
      %and3A_866 = arith.andi %eq3A_865, %ge3A_863 : vector<256x256xi1>
      %or3A_867 = arith.ori %gt3A_864, %and3A_866 : vector<256x256xi1>
      %convert_element_type3A_868 = arith.extui %or3A_867 : vector<256x256xi1> to vector<256x256xi32>
      %add3A_869 = arith.addi %add3A_850, %convert_element_type3A_868 : vector<256x256xi32>
      %sub3A_870 = arith.subf %roll3A_861, %select_n3A : vector<256x256xf32>
      %exp3A_871 = math.exp %sub3A_870 : vector<256x256xf32>
      %jit3A_872 = arith.constant 0.000000e+00 : f32
      %broadcast_in_dim3A_873 = vector.broadcast %jit3A_872 : f32 to vector<256x256xf32>
      %select_n3A_874 = arith.select %or3A_867, %broadcast_in_dim3A_873, %exp3A_871 : vector<256x256xi1>, vector<256x256xf32>
      %add3A_875 = arith.addf %add3A_856, %select_n3A_874 : vector<256x256xf32>
      %mul3A_876 = arith.constant 64 : i32
      %mul3A_877 = arith.muli %scan3A_156, %mul3A_876 : i32
      %add3A_878 = arith.constant 38 : i32
      %add3A_879 = arith.addi %mul3A_877, %add3A_878 : i32
      %roll3A_880 = tpu.dynamic_rotate %select_n3A by %add3A_879 dim 1 : vector<256x256xf32>, i32 -> vector<256x256xf32>
      %ge3A_881 = vector.broadcast %add3A_879 : i32 to vector<256x256xi32>
      %ge3A_882 = arith.cmpi sge, %iota3A, %ge3A_881 : vector<256x256xi32>
      %gt3A_883 = arith.cmpf ogt, %roll3A_880, %select_n3A : vector<256x256xf32>
      %eq3A_884 = arith.cmpf oeq, %roll3A_880, %select_n3A : vector<256x256xf32>
      %and3A_885 = arith.andi %eq3A_884, %ge3A_882 : vector<256x256xi1>
      %or3A_886 = arith.ori %gt3A_883, %and3A_885 : vector<256x256xi1>
      %convert_element_type3A_887 = arith.extui %or3A_886 : vector<256x256xi1> to vector<256x256xi32>
      %add3A_888 = arith.addi %add3A_869, %convert_element_type3A_887 : vector<256x256xi32>
      %sub3A_889 = arith.subf %roll3A_880, %select_n3A : vector<256x256xf32>
      %exp3A_890 = math.exp %sub3A_889 : vector<256x256xf32>
      %jit3A_891 = arith.constant 0.000000e+00 : f32
      %broadcast_in_dim3A_892 = vector.broadcast %jit3A_891 : f32 to vector<256x256xf32>
      %select_n3A_893 = arith.select %or3A_886, %broadcast_in_dim3A_892, %exp3A_890 : vector<256x256xi1>, vector<256x256xf32>
      %add3A_894 = arith.addf %add3A_875, %select_n3A_893 : vector<256x256xf32>
      %mul3A_895 = arith.constant 64 : i32
      %mul3A_896 = arith.muli %scan3A_156, %mul3A_895 : i32
      %add3A_897 = arith.constant 39 : i32
      %add3A_898 = arith.addi %mul3A_896, %add3A_897 : i32
      %roll3A_899 = tpu.dynamic_rotate %select_n3A by %add3A_898 dim 1 : vector<256x256xf32>, i32 -> vector<256x256xf32>
      %ge3A_900 = vector.broadcast %add3A_898 : i32 to vector<256x256xi32>
      %ge3A_901 = arith.cmpi sge, %iota3A, %ge3A_900 : vector<256x256xi32>
      %gt3A_902 = arith.cmpf ogt, %roll3A_899, %select_n3A : vector<256x256xf32>
      %eq3A_903 = arith.cmpf oeq, %roll3A_899, %select_n3A : vector<256x256xf32>
      %and3A_904 = arith.andi %eq3A_903, %ge3A_901 : vector<256x256xi1>
      %or3A_905 = arith.ori %gt3A_902, %and3A_904 : vector<256x256xi1>
      %convert_element_type3A_906 = arith.extui %or3A_905 : vector<256x256xi1> to vector<256x256xi32>
      %add3A_907 = arith.addi %add3A_888, %convert_element_type3A_906 : vector<256x256xi32>
      %sub3A_908 = arith.subf %roll3A_899, %select_n3A : vector<256x256xf32>
      %exp3A_909 = math.exp %sub3A_908 : vector<256x256xf32>
      %jit3A_910 = arith.constant 0.000000e+00 : f32
      %broadcast_in_dim3A_911 = vector.broadcast %jit3A_910 : f32 to vector<256x256xf32>
      %select_n3A_912 = arith.select %or3A_905, %broadcast_in_dim3A_911, %exp3A_909 : vector<256x256xi1>, vector<256x256xf32>
      %add3A_913 = arith.addf %add3A_894, %select_n3A_912 : vector<256x256xf32>
      %mul3A_914 = arith.constant 64 : i32
      %mul3A_915 = arith.muli %scan3A_156, %mul3A_914 : i32
      %add3A_916 = arith.constant 40 : i32
      %add3A_917 = arith.addi %mul3A_915, %add3A_916 : i32
      %roll3A_918 = tpu.dynamic_rotate %select_n3A by %add3A_917 dim 1 : vector<256x256xf32>, i32 -> vector<256x256xf32>
      %ge3A_919 = vector.broadcast %add3A_917 : i32 to vector<256x256xi32>
      %ge3A_920 = arith.cmpi sge, %iota3A, %ge3A_919 : vector<256x256xi32>
      %gt3A_921 = arith.cmpf ogt, %roll3A_918, %select_n3A : vector<256x256xf32>
      %eq3A_922 = arith.cmpf oeq, %roll3A_918, %select_n3A : vector<256x256xf32>
      %and3A_923 = arith.andi %eq3A_922, %ge3A_920 : vector<256x256xi1>
      %or3A_924 = arith.ori %gt3A_921, %and3A_923 : vector<256x256xi1>
      %convert_element_type3A_925 = arith.extui %or3A_924 : vector<256x256xi1> to vector<256x256xi32>
      %add3A_926 = arith.addi %add3A_907, %convert_element_type3A_925 : vector<256x256xi32>
      %sub3A_927 = arith.subf %roll3A_918, %select_n3A : vector<256x256xf32>
      %exp3A_928 = math.exp %sub3A_927 : vector<256x256xf32>
      %jit3A_929 = arith.constant 0.000000e+00 : f32
      %broadcast_in_dim3A_930 = vector.broadcast %jit3A_929 : f32 to vector<256x256xf32>
      %select_n3A_931 = arith.select %or3A_924, %broadcast_in_dim3A_930, %exp3A_928 : vector<256x256xi1>, vector<256x256xf32>
      %add3A_932 = arith.addf %add3A_913, %select_n3A_931 : vector<256x256xf32>
      %mul3A_933 = arith.constant 64 : i32
      %mul3A_934 = arith.muli %scan3A_156, %mul3A_933 : i32
      %add3A_935 = arith.constant 41 : i32
      %add3A_936 = arith.addi %mul3A_934, %add3A_935 : i32
      %roll3A_937 = tpu.dynamic_rotate %select_n3A by %add3A_936 dim 1 : vector<256x256xf32>, i32 -> vector<256x256xf32>
      %ge3A_938 = vector.broadcast %add3A_936 : i32 to vector<256x256xi32>
      %ge3A_939 = arith.cmpi sge, %iota3A, %ge3A_938 : vector<256x256xi32>
      %gt3A_940 = arith.cmpf ogt, %roll3A_937, %select_n3A : vector<256x256xf32>
      %eq3A_941 = arith.cmpf oeq, %roll3A_937, %select_n3A : vector<256x256xf32>
      %and3A_942 = arith.andi %eq3A_941, %ge3A_939 : vector<256x256xi1>
      %or3A_943 = arith.ori %gt3A_940, %and3A_942 : vector<256x256xi1>
      %convert_element_type3A_944 = arith.extui %or3A_943 : vector<256x256xi1> to vector<256x256xi32>
      %add3A_945 = arith.addi %add3A_926, %convert_element_type3A_944 : vector<256x256xi32>
      %sub3A_946 = arith.subf %roll3A_937, %select_n3A : vector<256x256xf32>
      %exp3A_947 = math.exp %sub3A_946 : vector<256x256xf32>
      %jit3A_948 = arith.constant 0.000000e+00 : f32
      %broadcast_in_dim3A_949 = vector.broadcast %jit3A_948 : f32 to vector<256x256xf32>
      %select_n3A_950 = arith.select %or3A_943, %broadcast_in_dim3A_949, %exp3A_947 : vector<256x256xi1>, vector<256x256xf32>
      %add3A_951 = arith.addf %add3A_932, %select_n3A_950 : vector<256x256xf32>
      %mul3A_952 = arith.constant 64 : i32
      %mul3A_953 = arith.muli %scan3A_156, %mul3A_952 : i32
      %add3A_954 = arith.constant 42 : i32
      %add3A_955 = arith.addi %mul3A_953, %add3A_954 : i32
      %roll3A_956 = tpu.dynamic_rotate %select_n3A by %add3A_955 dim 1 : vector<256x256xf32>, i32 -> vector<256x256xf32>
      %ge3A_957 = vector.broadcast %add3A_955 : i32 to vector<256x256xi32>
      %ge3A_958 = arith.cmpi sge, %iota3A, %ge3A_957 : vector<256x256xi32>
      %gt3A_959 = arith.cmpf ogt, %roll3A_956, %select_n3A : vector<256x256xf32>
      %eq3A_960 = arith.cmpf oeq, %roll3A_956, %select_n3A : vector<256x256xf32>
      %and3A_961 = arith.andi %eq3A_960, %ge3A_958 : vector<256x256xi1>
      %or3A_962 = arith.ori %gt3A_959, %and3A_961 : vector<256x256xi1>
      %convert_element_type3A_963 = arith.extui %or3A_962 : vector<256x256xi1> to vector<256x256xi32>
      %add3A_964 = arith.addi %add3A_945, %convert_element_type3A_963 : vector<256x256xi32>
      %sub3A_965 = arith.subf %roll3A_956, %select_n3A : vector<256x256xf32>
      %exp3A_966 = math.exp %sub3A_965 : vector<256x256xf32>
      %jit3A_967 = arith.constant 0.000000e+00 : f32
      %broadcast_in_dim3A_968 = vector.broadcast %jit3A_967 : f32 to vector<256x256xf32>
      %select_n3A_969 = arith.select %or3A_962, %broadcast_in_dim3A_968, %exp3A_966 : vector<256x256xi1>, vector<256x256xf32>
      %add3A_970 = arith.addf %add3A_951, %select_n3A_969 : vector<256x256xf32>
      %mul3A_971 = arith.constant 64 : i32
      %mul3A_972 = arith.muli %scan3A_156, %mul3A_971 : i32
      %add3A_973 = arith.constant 43 : i32
      %add3A_974 = arith.addi %mul3A_972, %add3A_973 : i32
      %roll3A_975 = tpu.dynamic_rotate %select_n3A by %add3A_974 dim 1 : vector<256x256xf32>, i32 -> vector<256x256xf32>
      %ge3A_976 = vector.broadcast %add3A_974 : i32 to vector<256x256xi32>
      %ge3A_977 = arith.cmpi sge, %iota3A, %ge3A_976 : vector<256x256xi32>
      %gt3A_978 = arith.cmpf ogt, %roll3A_975, %select_n3A : vector<256x256xf32>
      %eq3A_979 = arith.cmpf oeq, %roll3A_975, %select_n3A : vector<256x256xf32>
      %and3A_980 = arith.andi %eq3A_979, %ge3A_977 : vector<256x256xi1>
      %or3A_981 = arith.ori %gt3A_978, %and3A_980 : vector<256x256xi1>
      %convert_element_type3A_982 = arith.extui %or3A_981 : vector<256x256xi1> to vector<256x256xi32>
      %add3A_983 = arith.addi %add3A_964, %convert_element_type3A_982 : vector<256x256xi32>
      %sub3A_984 = arith.subf %roll3A_975, %select_n3A : vector<256x256xf32>
      %exp3A_985 = math.exp %sub3A_984 : vector<256x256xf32>
      %jit3A_986 = arith.constant 0.000000e+00 : f32
      %broadcast_in_dim3A_987 = vector.broadcast %jit3A_986 : f32 to vector<256x256xf32>
      %select_n3A_988 = arith.select %or3A_981, %broadcast_in_dim3A_987, %exp3A_985 : vector<256x256xi1>, vector<256x256xf32>
      %add3A_989 = arith.addf %add3A_970, %select_n3A_988 : vector<256x256xf32>
      %mul3A_990 = arith.constant 64 : i32
      %mul3A_991 = arith.muli %scan3A_156, %mul3A_990 : i32
      %add3A_992 = arith.constant 44 : i32
      %add3A_993 = arith.addi %mul3A_991, %add3A_992 : i32
      %roll3A_994 = tpu.dynamic_rotate %select_n3A by %add3A_993 dim 1 : vector<256x256xf32>, i32 -> vector<256x256xf32>
      %ge3A_995 = vector.broadcast %add3A_993 : i32 to vector<256x256xi32>
      %ge3A_996 = arith.cmpi sge, %iota3A, %ge3A_995 : vector<256x256xi32>
      %gt3A_997 = arith.cmpf ogt, %roll3A_994, %select_n3A : vector<256x256xf32>
      %eq3A_998 = arith.cmpf oeq, %roll3A_994, %select_n3A : vector<256x256xf32>
      %and3A_999 = arith.andi %eq3A_998, %ge3A_996 : vector<256x256xi1>
      %or3A_1000 = arith.ori %gt3A_997, %and3A_999 : vector<256x256xi1>
      %convert_element_type3A_1001 = arith.extui %or3A_1000 : vector<256x256xi1> to vector<256x256xi32>
      %add3A_1002 = arith.addi %add3A_983, %convert_element_type3A_1001 : vector<256x256xi32>
      %sub3A_1003 = arith.subf %roll3A_994, %select_n3A : vector<256x256xf32>
      %exp3A_1004 = math.exp %sub3A_1003 : vector<256x256xf32>
      %jit3A_1005 = arith.constant 0.000000e+00 : f32
      %broadcast_in_dim3A_1006 = vector.broadcast %jit3A_1005 : f32 to vector<256x256xf32>
      %select_n3A_1007 = arith.select %or3A_1000, %broadcast_in_dim3A_1006, %exp3A_1004 : vector<256x256xi1>, vector<256x256xf32>
      %add3A_1008 = arith.addf %add3A_989, %select_n3A_1007 : vector<256x256xf32>
      %mul3A_1009 = arith.constant 64 : i32
      %mul3A_1010 = arith.muli %scan3A_156, %mul3A_1009 : i32
      %add3A_1011 = arith.constant 45 : i32
      %add3A_1012 = arith.addi %mul3A_1010, %add3A_1011 : i32
      %roll3A_1013 = tpu.dynamic_rotate %select_n3A by %add3A_1012 dim 1 : vector<256x256xf32>, i32 -> vector<256x256xf32>
      %ge3A_1014 = vector.broadcast %add3A_1012 : i32 to vector<256x256xi32>
      %ge3A_1015 = arith.cmpi sge, %iota3A, %ge3A_1014 : vector<256x256xi32>
      %gt3A_1016 = arith.cmpf ogt, %roll3A_1013, %select_n3A : vector<256x256xf32>
      %eq3A_1017 = arith.cmpf oeq, %roll3A_1013, %select_n3A : vector<256x256xf32>
      %and3A_1018 = arith.andi %eq3A_1017, %ge3A_1015 : vector<256x256xi1>
      %or3A_1019 = arith.ori %gt3A_1016, %and3A_1018 : vector<256x256xi1>
      %convert_element_type3A_1020 = arith.extui %or3A_1019 : vector<256x256xi1> to vector<256x256xi32>
      %add3A_1021 = arith.addi %add3A_1002, %convert_element_type3A_1020 : vector<256x256xi32>
      %sub3A_1022 = arith.subf %roll3A_1013, %select_n3A : vector<256x256xf32>
      %exp3A_1023 = math.exp %sub3A_1022 : vector<256x256xf32>
      %jit3A_1024 = arith.constant 0.000000e+00 : f32
      %broadcast_in_dim3A_1025 = vector.broadcast %jit3A_1024 : f32 to vector<256x256xf32>
      %select_n3A_1026 = arith.select %or3A_1019, %broadcast_in_dim3A_1025, %exp3A_1023 : vector<256x256xi1>, vector<256x256xf32>
      %add3A_1027 = arith.addf %add3A_1008, %select_n3A_1026 : vector<256x256xf32>
      %mul3A_1028 = arith.constant 64 : i32
      %mul3A_1029 = arith.muli %scan3A_156, %mul3A_1028 : i32
      %add3A_1030 = arith.constant 46 : i32
      %add3A_1031 = arith.addi %mul3A_1029, %add3A_1030 : i32
      %roll3A_1032 = tpu.dynamic_rotate %select_n3A by %add3A_1031 dim 1 : vector<256x256xf32>, i32 -> vector<256x256xf32>
      %ge3A_1033 = vector.broadcast %add3A_1031 : i32 to vector<256x256xi32>
      %ge3A_1034 = arith.cmpi sge, %iota3A, %ge3A_1033 : vector<256x256xi32>
      %gt3A_1035 = arith.cmpf ogt, %roll3A_1032, %select_n3A : vector<256x256xf32>
      %eq3A_1036 = arith.cmpf oeq, %roll3A_1032, %select_n3A : vector<256x256xf32>
      %and3A_1037 = arith.andi %eq3A_1036, %ge3A_1034 : vector<256x256xi1>
      %or3A_1038 = arith.ori %gt3A_1035, %and3A_1037 : vector<256x256xi1>
      %convert_element_type3A_1039 = arith.extui %or3A_1038 : vector<256x256xi1> to vector<256x256xi32>
      %add3A_1040 = arith.addi %add3A_1021, %convert_element_type3A_1039 : vector<256x256xi32>
      %sub3A_1041 = arith.subf %roll3A_1032, %select_n3A : vector<256x256xf32>
      %exp3A_1042 = math.exp %sub3A_1041 : vector<256x256xf32>
      %jit3A_1043 = arith.constant 0.000000e+00 : f32
      %broadcast_in_dim3A_1044 = vector.broadcast %jit3A_1043 : f32 to vector<256x256xf32>
      %select_n3A_1045 = arith.select %or3A_1038, %broadcast_in_dim3A_1044, %exp3A_1042 : vector<256x256xi1>, vector<256x256xf32>
      %add3A_1046 = arith.addf %add3A_1027, %select_n3A_1045 : vector<256x256xf32>
      %mul3A_1047 = arith.constant 64 : i32
      %mul3A_1048 = arith.muli %scan3A_156, %mul3A_1047 : i32
      %add3A_1049 = arith.constant 47 : i32
      %add3A_1050 = arith.addi %mul3A_1048, %add3A_1049 : i32
      %roll3A_1051 = tpu.dynamic_rotate %select_n3A by %add3A_1050 dim 1 : vector<256x256xf32>, i32 -> vector<256x256xf32>
      %ge3A_1052 = vector.broadcast %add3A_1050 : i32 to vector<256x256xi32>
      %ge3A_1053 = arith.cmpi sge, %iota3A, %ge3A_1052 : vector<256x256xi32>
      %gt3A_1054 = arith.cmpf ogt, %roll3A_1051, %select_n3A : vector<256x256xf32>
      %eq3A_1055 = arith.cmpf oeq, %roll3A_1051, %select_n3A : vector<256x256xf32>
      %and3A_1056 = arith.andi %eq3A_1055, %ge3A_1053 : vector<256x256xi1>
      %or3A_1057 = arith.ori %gt3A_1054, %and3A_1056 : vector<256x256xi1>
      %convert_element_type3A_1058 = arith.extui %or3A_1057 : vector<256x256xi1> to vector<256x256xi32>
      %add3A_1059 = arith.addi %add3A_1040, %convert_element_type3A_1058 : vector<256x256xi32>
      %sub3A_1060 = arith.subf %roll3A_1051, %select_n3A : vector<256x256xf32>
      %exp3A_1061 = math.exp %sub3A_1060 : vector<256x256xf32>
      %jit3A_1062 = arith.constant 0.000000e+00 : f32
      %broadcast_in_dim3A_1063 = vector.broadcast %jit3A_1062 : f32 to vector<256x256xf32>
      %select_n3A_1064 = arith.select %or3A_1057, %broadcast_in_dim3A_1063, %exp3A_1061 : vector<256x256xi1>, vector<256x256xf32>
      %add3A_1065 = arith.addf %add3A_1046, %select_n3A_1064 : vector<256x256xf32>
      %mul3A_1066 = arith.constant 64 : i32
      %mul3A_1067 = arith.muli %scan3A_156, %mul3A_1066 : i32
      %add3A_1068 = arith.constant 48 : i32
      %add3A_1069 = arith.addi %mul3A_1067, %add3A_1068 : i32
      %roll3A_1070 = tpu.dynamic_rotate %select_n3A by %add3A_1069 dim 1 : vector<256x256xf32>, i32 -> vector<256x256xf32>
      %ge3A_1071 = vector.broadcast %add3A_1069 : i32 to vector<256x256xi32>
      %ge3A_1072 = arith.cmpi sge, %iota3A, %ge3A_1071 : vector<256x256xi32>
      %gt3A_1073 = arith.cmpf ogt, %roll3A_1070, %select_n3A : vector<256x256xf32>
      %eq3A_1074 = arith.cmpf oeq, %roll3A_1070, %select_n3A : vector<256x256xf32>
      %and3A_1075 = arith.andi %eq3A_1074, %ge3A_1072 : vector<256x256xi1>
      %or3A_1076 = arith.ori %gt3A_1073, %and3A_1075 : vector<256x256xi1>
      %convert_element_type3A_1077 = arith.extui %or3A_1076 : vector<256x256xi1> to vector<256x256xi32>
      %add3A_1078 = arith.addi %add3A_1059, %convert_element_type3A_1077 : vector<256x256xi32>
      %sub3A_1079 = arith.subf %roll3A_1070, %select_n3A : vector<256x256xf32>
      %exp3A_1080 = math.exp %sub3A_1079 : vector<256x256xf32>
      %jit3A_1081 = arith.constant 0.000000e+00 : f32
      %broadcast_in_dim3A_1082 = vector.broadcast %jit3A_1081 : f32 to vector<256x256xf32>
      %select_n3A_1083 = arith.select %or3A_1076, %broadcast_in_dim3A_1082, %exp3A_1080 : vector<256x256xi1>, vector<256x256xf32>
      %add3A_1084 = arith.addf %add3A_1065, %select_n3A_1083 : vector<256x256xf32>
      %mul3A_1085 = arith.constant 64 : i32
      %mul3A_1086 = arith.muli %scan3A_156, %mul3A_1085 : i32
      %add3A_1087 = arith.constant 49 : i32
      %add3A_1088 = arith.addi %mul3A_1086, %add3A_1087 : i32
      %roll3A_1089 = tpu.dynamic_rotate %select_n3A by %add3A_1088 dim 1 : vector<256x256xf32>, i32 -> vector<256x256xf32>
      %ge3A_1090 = vector.broadcast %add3A_1088 : i32 to vector<256x256xi32>
      %ge3A_1091 = arith.cmpi sge, %iota3A, %ge3A_1090 : vector<256x256xi32>
      %gt3A_1092 = arith.cmpf ogt, %roll3A_1089, %select_n3A : vector<256x256xf32>
      %eq3A_1093 = arith.cmpf oeq, %roll3A_1089, %select_n3A : vector<256x256xf32>
      %and3A_1094 = arith.andi %eq3A_1093, %ge3A_1091 : vector<256x256xi1>
      %or3A_1095 = arith.ori %gt3A_1092, %and3A_1094 : vector<256x256xi1>
      %convert_element_type3A_1096 = arith.extui %or3A_1095 : vector<256x256xi1> to vector<256x256xi32>
      %add3A_1097 = arith.addi %add3A_1078, %convert_element_type3A_1096 : vector<256x256xi32>
      %sub3A_1098 = arith.subf %roll3A_1089, %select_n3A : vector<256x256xf32>
      %exp3A_1099 = math.exp %sub3A_1098 : vector<256x256xf32>
      %jit3A_1100 = arith.constant 0.000000e+00 : f32
      %broadcast_in_dim3A_1101 = vector.broadcast %jit3A_1100 : f32 to vector<256x256xf32>
      %select_n3A_1102 = arith.select %or3A_1095, %broadcast_in_dim3A_1101, %exp3A_1099 : vector<256x256xi1>, vector<256x256xf32>
      %add3A_1103 = arith.addf %add3A_1084, %select_n3A_1102 : vector<256x256xf32>
      %mul3A_1104 = arith.constant 64 : i32
      %mul3A_1105 = arith.muli %scan3A_156, %mul3A_1104 : i32
      %add3A_1106 = arith.constant 50 : i32
      %add3A_1107 = arith.addi %mul3A_1105, %add3A_1106 : i32
      %roll3A_1108 = tpu.dynamic_rotate %select_n3A by %add3A_1107 dim 1 : vector<256x256xf32>, i32 -> vector<256x256xf32>
      %ge3A_1109 = vector.broadcast %add3A_1107 : i32 to vector<256x256xi32>
      %ge3A_1110 = arith.cmpi sge, %iota3A, %ge3A_1109 : vector<256x256xi32>
      %gt3A_1111 = arith.cmpf ogt, %roll3A_1108, %select_n3A : vector<256x256xf32>
      %eq3A_1112 = arith.cmpf oeq, %roll3A_1108, %select_n3A : vector<256x256xf32>
      %and3A_1113 = arith.andi %eq3A_1112, %ge3A_1110 : vector<256x256xi1>
      %or3A_1114 = arith.ori %gt3A_1111, %and3A_1113 : vector<256x256xi1>
      %convert_element_type3A_1115 = arith.extui %or3A_1114 : vector<256x256xi1> to vector<256x256xi32>
      %add3A_1116 = arith.addi %add3A_1097, %convert_element_type3A_1115 : vector<256x256xi32>
      %sub3A_1117 = arith.subf %roll3A_1108, %select_n3A : vector<256x256xf32>
      %exp3A_1118 = math.exp %sub3A_1117 : vector<256x256xf32>
      %jit3A_1119 = arith.constant 0.000000e+00 : f32
      %broadcast_in_dim3A_1120 = vector.broadcast %jit3A_1119 : f32 to vector<256x256xf32>
      %select_n3A_1121 = arith.select %or3A_1114, %broadcast_in_dim3A_1120, %exp3A_1118 : vector<256x256xi1>, vector<256x256xf32>
      %add3A_1122 = arith.addf %add3A_1103, %select_n3A_1121 : vector<256x256xf32>
      %mul3A_1123 = arith.constant 64 : i32
      %mul3A_1124 = arith.muli %scan3A_156, %mul3A_1123 : i32
      %add3A_1125 = arith.constant 51 : i32
      %add3A_1126 = arith.addi %mul3A_1124, %add3A_1125 : i32
      %roll3A_1127 = tpu.dynamic_rotate %select_n3A by %add3A_1126 dim 1 : vector<256x256xf32>, i32 -> vector<256x256xf32>
      %ge3A_1128 = vector.broadcast %add3A_1126 : i32 to vector<256x256xi32>
      %ge3A_1129 = arith.cmpi sge, %iota3A, %ge3A_1128 : vector<256x256xi32>
      %gt3A_1130 = arith.cmpf ogt, %roll3A_1127, %select_n3A : vector<256x256xf32>
      %eq3A_1131 = arith.cmpf oeq, %roll3A_1127, %select_n3A : vector<256x256xf32>
      %and3A_1132 = arith.andi %eq3A_1131, %ge3A_1129 : vector<256x256xi1>
      %or3A_1133 = arith.ori %gt3A_1130, %and3A_1132 : vector<256x256xi1>
      %convert_element_type3A_1134 = arith.extui %or3A_1133 : vector<256x256xi1> to vector<256x256xi32>
      %add3A_1135 = arith.addi %add3A_1116, %convert_element_type3A_1134 : vector<256x256xi32>
      %sub3A_1136 = arith.subf %roll3A_1127, %select_n3A : vector<256x256xf32>
      %exp3A_1137 = math.exp %sub3A_1136 : vector<256x256xf32>
      %jit3A_1138 = arith.constant 0.000000e+00 : f32
      %broadcast_in_dim3A_1139 = vector.broadcast %jit3A_1138 : f32 to vector<256x256xf32>
      %select_n3A_1140 = arith.select %or3A_1133, %broadcast_in_dim3A_1139, %exp3A_1137 : vector<256x256xi1>, vector<256x256xf32>
      %add3A_1141 = arith.addf %add3A_1122, %select_n3A_1140 : vector<256x256xf32>
      %mul3A_1142 = arith.constant 64 : i32
      %mul3A_1143 = arith.muli %scan3A_156, %mul3A_1142 : i32
      %add3A_1144 = arith.constant 52 : i32
      %add3A_1145 = arith.addi %mul3A_1143, %add3A_1144 : i32
      %roll3A_1146 = tpu.dynamic_rotate %select_n3A by %add3A_1145 dim 1 : vector<256x256xf32>, i32 -> vector<256x256xf32>
      %ge3A_1147 = vector.broadcast %add3A_1145 : i32 to vector<256x256xi32>
      %ge3A_1148 = arith.cmpi sge, %iota3A, %ge3A_1147 : vector<256x256xi32>
      %gt3A_1149 = arith.cmpf ogt, %roll3A_1146, %select_n3A : vector<256x256xf32>
      %eq3A_1150 = arith.cmpf oeq, %roll3A_1146, %select_n3A : vector<256x256xf32>
      %and3A_1151 = arith.andi %eq3A_1150, %ge3A_1148 : vector<256x256xi1>
      %or3A_1152 = arith.ori %gt3A_1149, %and3A_1151 : vector<256x256xi1>
      %convert_element_type3A_1153 = arith.extui %or3A_1152 : vector<256x256xi1> to vector<256x256xi32>
      %add3A_1154 = arith.addi %add3A_1135, %convert_element_type3A_1153 : vector<256x256xi32>
      %sub3A_1155 = arith.subf %roll3A_1146, %select_n3A : vector<256x256xf32>
      %exp3A_1156 = math.exp %sub3A_1155 : vector<256x256xf32>
      %jit3A_1157 = arith.constant 0.000000e+00 : f32
      %broadcast_in_dim3A_1158 = vector.broadcast %jit3A_1157 : f32 to vector<256x256xf32>
      %select_n3A_1159 = arith.select %or3A_1152, %broadcast_in_dim3A_1158, %exp3A_1156 : vector<256x256xi1>, vector<256x256xf32>
      %add3A_1160 = arith.addf %add3A_1141, %select_n3A_1159 : vector<256x256xf32>
      %mul3A_1161 = arith.constant 64 : i32
      %mul3A_1162 = arith.muli %scan3A_156, %mul3A_1161 : i32
      %add3A_1163 = arith.constant 53 : i32
      %add3A_1164 = arith.addi %mul3A_1162, %add3A_1163 : i32
      %roll3A_1165 = tpu.dynamic_rotate %select_n3A by %add3A_1164 dim 1 : vector<256x256xf32>, i32 -> vector<256x256xf32>
      %ge3A_1166 = vector.broadcast %add3A_1164 : i32 to vector<256x256xi32>
      %ge3A_1167 = arith.cmpi sge, %iota3A, %ge3A_1166 : vector<256x256xi32>
      %gt3A_1168 = arith.cmpf ogt, %roll3A_1165, %select_n3A : vector<256x256xf32>
      %eq3A_1169 = arith.cmpf oeq, %roll3A_1165, %select_n3A : vector<256x256xf32>
      %and3A_1170 = arith.andi %eq3A_1169, %ge3A_1167 : vector<256x256xi1>
      %or3A_1171 = arith.ori %gt3A_1168, %and3A_1170 : vector<256x256xi1>
      %convert_element_type3A_1172 = arith.extui %or3A_1171 : vector<256x256xi1> to vector<256x256xi32>
      %add3A_1173 = arith.addi %add3A_1154, %convert_element_type3A_1172 : vector<256x256xi32>
      %sub3A_1174 = arith.subf %roll3A_1165, %select_n3A : vector<256x256xf32>
      %exp3A_1175 = math.exp %sub3A_1174 : vector<256x256xf32>
      %jit3A_1176 = arith.constant 0.000000e+00 : f32
      %broadcast_in_dim3A_1177 = vector.broadcast %jit3A_1176 : f32 to vector<256x256xf32>
      %select_n3A_1178 = arith.select %or3A_1171, %broadcast_in_dim3A_1177, %exp3A_1175 : vector<256x256xi1>, vector<256x256xf32>
      %add3A_1179 = arith.addf %add3A_1160, %select_n3A_1178 : vector<256x256xf32>
      %mul3A_1180 = arith.constant 64 : i32
      %mul3A_1181 = arith.muli %scan3A_156, %mul3A_1180 : i32
      %add3A_1182 = arith.constant 54 : i32
      %add3A_1183 = arith.addi %mul3A_1181, %add3A_1182 : i32
      %roll3A_1184 = tpu.dynamic_rotate %select_n3A by %add3A_1183 dim 1 : vector<256x256xf32>, i32 -> vector<256x256xf32>
      %ge3A_1185 = vector.broadcast %add3A_1183 : i32 to vector<256x256xi32>
      %ge3A_1186 = arith.cmpi sge, %iota3A, %ge3A_1185 : vector<256x256xi32>
      %gt3A_1187 = arith.cmpf ogt, %roll3A_1184, %select_n3A : vector<256x256xf32>
      %eq3A_1188 = arith.cmpf oeq, %roll3A_1184, %select_n3A : vector<256x256xf32>
      %and3A_1189 = arith.andi %eq3A_1188, %ge3A_1186 : vector<256x256xi1>
      %or3A_1190 = arith.ori %gt3A_1187, %and3A_1189 : vector<256x256xi1>
      %convert_element_type3A_1191 = arith.extui %or3A_1190 : vector<256x256xi1> to vector<256x256xi32>
      %add3A_1192 = arith.addi %add3A_1173, %convert_element_type3A_1191 : vector<256x256xi32>
      %sub3A_1193 = arith.subf %roll3A_1184, %select_n3A : vector<256x256xf32>
      %exp3A_1194 = math.exp %sub3A_1193 : vector<256x256xf32>
      %jit3A_1195 = arith.constant 0.000000e+00 : f32
      %broadcast_in_dim3A_1196 = vector.broadcast %jit3A_1195 : f32 to vector<256x256xf32>
      %select_n3A_1197 = arith.select %or3A_1190, %broadcast_in_dim3A_1196, %exp3A_1194 : vector<256x256xi1>, vector<256x256xf32>
      %add3A_1198 = arith.addf %add3A_1179, %select_n3A_1197 : vector<256x256xf32>
      %mul3A_1199 = arith.constant 64 : i32
      %mul3A_1200 = arith.muli %scan3A_156, %mul3A_1199 : i32
      %add3A_1201 = arith.constant 55 : i32
      %add3A_1202 = arith.addi %mul3A_1200, %add3A_1201 : i32
      %roll3A_1203 = tpu.dynamic_rotate %select_n3A by %add3A_1202 dim 1 : vector<256x256xf32>, i32 -> vector<256x256xf32>
      %ge3A_1204 = vector.broadcast %add3A_1202 : i32 to vector<256x256xi32>
      %ge3A_1205 = arith.cmpi sge, %iota3A, %ge3A_1204 : vector<256x256xi32>
      %gt3A_1206 = arith.cmpf ogt, %roll3A_1203, %select_n3A : vector<256x256xf32>
      %eq3A_1207 = arith.cmpf oeq, %roll3A_1203, %select_n3A : vector<256x256xf32>
      %and3A_1208 = arith.andi %eq3A_1207, %ge3A_1205 : vector<256x256xi1>
      %or3A_1209 = arith.ori %gt3A_1206, %and3A_1208 : vector<256x256xi1>
      %convert_element_type3A_1210 = arith.extui %or3A_1209 : vector<256x256xi1> to vector<256x256xi32>
      %add3A_1211 = arith.addi %add3A_1192, %convert_element_type3A_1210 : vector<256x256xi32>
      %sub3A_1212 = arith.subf %roll3A_1203, %select_n3A : vector<256x256xf32>
      %exp3A_1213 = math.exp %sub3A_1212 : vector<256x256xf32>
      %jit3A_1214 = arith.constant 0.000000e+00 : f32
      %broadcast_in_dim3A_1215 = vector.broadcast %jit3A_1214 : f32 to vector<256x256xf32>
      %select_n3A_1216 = arith.select %or3A_1209, %broadcast_in_dim3A_1215, %exp3A_1213 : vector<256x256xi1>, vector<256x256xf32>
      %add3A_1217 = arith.addf %add3A_1198, %select_n3A_1216 : vector<256x256xf32>
      %mul3A_1218 = arith.constant 64 : i32
      %mul3A_1219 = arith.muli %scan3A_156, %mul3A_1218 : i32
      %add3A_1220 = arith.constant 56 : i32
      %add3A_1221 = arith.addi %mul3A_1219, %add3A_1220 : i32
      %roll3A_1222 = tpu.dynamic_rotate %select_n3A by %add3A_1221 dim 1 : vector<256x256xf32>, i32 -> vector<256x256xf32>
      %ge3A_1223 = vector.broadcast %add3A_1221 : i32 to vector<256x256xi32>
      %ge3A_1224 = arith.cmpi sge, %iota3A, %ge3A_1223 : vector<256x256xi32>
      %gt3A_1225 = arith.cmpf ogt, %roll3A_1222, %select_n3A : vector<256x256xf32>
      %eq3A_1226 = arith.cmpf oeq, %roll3A_1222, %select_n3A : vector<256x256xf32>
      %and3A_1227 = arith.andi %eq3A_1226, %ge3A_1224 : vector<256x256xi1>
      %or3A_1228 = arith.ori %gt3A_1225, %and3A_1227 : vector<256x256xi1>
      %convert_element_type3A_1229 = arith.extui %or3A_1228 : vector<256x256xi1> to vector<256x256xi32>
      %add3A_1230 = arith.addi %add3A_1211, %convert_element_type3A_1229 : vector<256x256xi32>
      %sub3A_1231 = arith.subf %roll3A_1222, %select_n3A : vector<256x256xf32>
      %exp3A_1232 = math.exp %sub3A_1231 : vector<256x256xf32>
      %jit3A_1233 = arith.constant 0.000000e+00 : f32
      %broadcast_in_dim3A_1234 = vector.broadcast %jit3A_1233 : f32 to vector<256x256xf32>
      %select_n3A_1235 = arith.select %or3A_1228, %broadcast_in_dim3A_1234, %exp3A_1232 : vector<256x256xi1>, vector<256x256xf32>
      %add3A_1236 = arith.addf %add3A_1217, %select_n3A_1235 : vector<256x256xf32>
      %mul3A_1237 = arith.constant 64 : i32
      %mul3A_1238 = arith.muli %scan3A_156, %mul3A_1237 : i32
      %add3A_1239 = arith.constant 57 : i32
      %add3A_1240 = arith.addi %mul3A_1238, %add3A_1239 : i32
      %roll3A_1241 = tpu.dynamic_rotate %select_n3A by %add3A_1240 dim 1 : vector<256x256xf32>, i32 -> vector<256x256xf32>
      %ge3A_1242 = vector.broadcast %add3A_1240 : i32 to vector<256x256xi32>
      %ge3A_1243 = arith.cmpi sge, %iota3A, %ge3A_1242 : vector<256x256xi32>
      %gt3A_1244 = arith.cmpf ogt, %roll3A_1241, %select_n3A : vector<256x256xf32>
      %eq3A_1245 = arith.cmpf oeq, %roll3A_1241, %select_n3A : vector<256x256xf32>
      %and3A_1246 = arith.andi %eq3A_1245, %ge3A_1243 : vector<256x256xi1>
      %or3A_1247 = arith.ori %gt3A_1244, %and3A_1246 : vector<256x256xi1>
      %convert_element_type3A_1248 = arith.extui %or3A_1247 : vector<256x256xi1> to vector<256x256xi32>
      %add3A_1249 = arith.addi %add3A_1230, %convert_element_type3A_1248 : vector<256x256xi32>
      %sub3A_1250 = arith.subf %roll3A_1241, %select_n3A : vector<256x256xf32>
      %exp3A_1251 = math.exp %sub3A_1250 : vector<256x256xf32>
      %jit3A_1252 = arith.constant 0.000000e+00 : f32
      %broadcast_in_dim3A_1253 = vector.broadcast %jit3A_1252 : f32 to vector<256x256xf32>
      %select_n3A_1254 = arith.select %or3A_1247, %broadcast_in_dim3A_1253, %exp3A_1251 : vector<256x256xi1>, vector<256x256xf32>
      %add3A_1255 = arith.addf %add3A_1236, %select_n3A_1254 : vector<256x256xf32>
      %mul3A_1256 = arith.constant 64 : i32
      %mul3A_1257 = arith.muli %scan3A_156, %mul3A_1256 : i32
      %add3A_1258 = arith.constant 58 : i32
      %add3A_1259 = arith.addi %mul3A_1257, %add3A_1258 : i32
      %roll3A_1260 = tpu.dynamic_rotate %select_n3A by %add3A_1259 dim 1 : vector<256x256xf32>, i32 -> vector<256x256xf32>
      %ge3A_1261 = vector.broadcast %add3A_1259 : i32 to vector<256x256xi32>
      %ge3A_1262 = arith.cmpi sge, %iota3A, %ge3A_1261 : vector<256x256xi32>
      %gt3A_1263 = arith.cmpf ogt, %roll3A_1260, %select_n3A : vector<256x256xf32>
      %eq3A_1264 = arith.cmpf oeq, %roll3A_1260, %select_n3A : vector<256x256xf32>
      %and3A_1265 = arith.andi %eq3A_1264, %ge3A_1262 : vector<256x256xi1>
      %or3A_1266 = arith.ori %gt3A_1263, %and3A_1265 : vector<256x256xi1>
      %convert_element_type3A_1267 = arith.extui %or3A_1266 : vector<256x256xi1> to vector<256x256xi32>
      %add3A_1268 = arith.addi %add3A_1249, %convert_element_type3A_1267 : vector<256x256xi32>
      %sub3A_1269 = arith.subf %roll3A_1260, %select_n3A : vector<256x256xf32>
      %exp3A_1270 = math.exp %sub3A_1269 : vector<256x256xf32>
      %jit3A_1271 = arith.constant 0.000000e+00 : f32
      %broadcast_in_dim3A_1272 = vector.broadcast %jit3A_1271 : f32 to vector<256x256xf32>
      %select_n3A_1273 = arith.select %or3A_1266, %broadcast_in_dim3A_1272, %exp3A_1270 : vector<256x256xi1>, vector<256x256xf32>
      %add3A_1274 = arith.addf %add3A_1255, %select_n3A_1273 : vector<256x256xf32>
      %mul3A_1275 = arith.constant 64 : i32
      %mul3A_1276 = arith.muli %scan3A_156, %mul3A_1275 : i32
      %add3A_1277 = arith.constant 59 : i32
      %add3A_1278 = arith.addi %mul3A_1276, %add3A_1277 : i32
      %roll3A_1279 = tpu.dynamic_rotate %select_n3A by %add3A_1278 dim 1 : vector<256x256xf32>, i32 -> vector<256x256xf32>
      %ge3A_1280 = vector.broadcast %add3A_1278 : i32 to vector<256x256xi32>
      %ge3A_1281 = arith.cmpi sge, %iota3A, %ge3A_1280 : vector<256x256xi32>
      %gt3A_1282 = arith.cmpf ogt, %roll3A_1279, %select_n3A : vector<256x256xf32>
      %eq3A_1283 = arith.cmpf oeq, %roll3A_1279, %select_n3A : vector<256x256xf32>
      %and3A_1284 = arith.andi %eq3A_1283, %ge3A_1281 : vector<256x256xi1>
      %or3A_1285 = arith.ori %gt3A_1282, %and3A_1284 : vector<256x256xi1>
      %convert_element_type3A_1286 = arith.extui %or3A_1285 : vector<256x256xi1> to vector<256x256xi32>
      %add3A_1287 = arith.addi %add3A_1268, %convert_element_type3A_1286 : vector<256x256xi32>
      %sub3A_1288 = arith.subf %roll3A_1279, %select_n3A : vector<256x256xf32>
      %exp3A_1289 = math.exp %sub3A_1288 : vector<256x256xf32>
      %jit3A_1290 = arith.constant 0.000000e+00 : f32
      %broadcast_in_dim3A_1291 = vector.broadcast %jit3A_1290 : f32 to vector<256x256xf32>
      %select_n3A_1292 = arith.select %or3A_1285, %broadcast_in_dim3A_1291, %exp3A_1289 : vector<256x256xi1>, vector<256x256xf32>
      %add3A_1293 = arith.addf %add3A_1274, %select_n3A_1292 : vector<256x256xf32>
      %mul3A_1294 = arith.constant 64 : i32
      %mul3A_1295 = arith.muli %scan3A_156, %mul3A_1294 : i32
      %add3A_1296 = arith.constant 60 : i32
      %add3A_1297 = arith.addi %mul3A_1295, %add3A_1296 : i32
      %roll3A_1298 = tpu.dynamic_rotate %select_n3A by %add3A_1297 dim 1 : vector<256x256xf32>, i32 -> vector<256x256xf32>
      %ge3A_1299 = vector.broadcast %add3A_1297 : i32 to vector<256x256xi32>
      %ge3A_1300 = arith.cmpi sge, %iota3A, %ge3A_1299 : vector<256x256xi32>
      %gt3A_1301 = arith.cmpf ogt, %roll3A_1298, %select_n3A : vector<256x256xf32>
      %eq3A_1302 = arith.cmpf oeq, %roll3A_1298, %select_n3A : vector<256x256xf32>
      %and3A_1303 = arith.andi %eq3A_1302, %ge3A_1300 : vector<256x256xi1>
      %or3A_1304 = arith.ori %gt3A_1301, %and3A_1303 : vector<256x256xi1>
      %convert_element_type3A_1305 = arith.extui %or3A_1304 : vector<256x256xi1> to vector<256x256xi32>
      %add3A_1306 = arith.addi %add3A_1287, %convert_element_type3A_1305 : vector<256x256xi32>
      %sub3A_1307 = arith.subf %roll3A_1298, %select_n3A : vector<256x256xf32>
      %exp3A_1308 = math.exp %sub3A_1307 : vector<256x256xf32>
      %jit3A_1309 = arith.constant 0.000000e+00 : f32
      %broadcast_in_dim3A_1310 = vector.broadcast %jit3A_1309 : f32 to vector<256x256xf32>
      %select_n3A_1311 = arith.select %or3A_1304, %broadcast_in_dim3A_1310, %exp3A_1308 : vector<256x256xi1>, vector<256x256xf32>
      %add3A_1312 = arith.addf %add3A_1293, %select_n3A_1311 : vector<256x256xf32>
      %mul3A_1313 = arith.constant 64 : i32
      %mul3A_1314 = arith.muli %scan3A_156, %mul3A_1313 : i32
      %add3A_1315 = arith.constant 61 : i32
      %add3A_1316 = arith.addi %mul3A_1314, %add3A_1315 : i32
      %roll3A_1317 = tpu.dynamic_rotate %select_n3A by %add3A_1316 dim 1 : vector<256x256xf32>, i32 -> vector<256x256xf32>
      %ge3A_1318 = vector.broadcast %add3A_1316 : i32 to vector<256x256xi32>
      %ge3A_1319 = arith.cmpi sge, %iota3A, %ge3A_1318 : vector<256x256xi32>
      %gt3A_1320 = arith.cmpf ogt, %roll3A_1317, %select_n3A : vector<256x256xf32>
      %eq3A_1321 = arith.cmpf oeq, %roll3A_1317, %select_n3A : vector<256x256xf32>
      %and3A_1322 = arith.andi %eq3A_1321, %ge3A_1319 : vector<256x256xi1>
      %or3A_1323 = arith.ori %gt3A_1320, %and3A_1322 : vector<256x256xi1>
      %convert_element_type3A_1324 = arith.extui %or3A_1323 : vector<256x256xi1> to vector<256x256xi32>
      %add3A_1325 = arith.addi %add3A_1306, %convert_element_type3A_1324 : vector<256x256xi32>
      %sub3A_1326 = arith.subf %roll3A_1317, %select_n3A : vector<256x256xf32>
      %exp3A_1327 = math.exp %sub3A_1326 : vector<256x256xf32>
      %jit3A_1328 = arith.constant 0.000000e+00 : f32
      %broadcast_in_dim3A_1329 = vector.broadcast %jit3A_1328 : f32 to vector<256x256xf32>
      %select_n3A_1330 = arith.select %or3A_1323, %broadcast_in_dim3A_1329, %exp3A_1327 : vector<256x256xi1>, vector<256x256xf32>
      %add3A_1331 = arith.addf %add3A_1312, %select_n3A_1330 : vector<256x256xf32>
      %mul3A_1332 = arith.constant 64 : i32
      %mul3A_1333 = arith.muli %scan3A_156, %mul3A_1332 : i32
      %add3A_1334 = arith.constant 62 : i32
      %add3A_1335 = arith.addi %mul3A_1333, %add3A_1334 : i32
      %roll3A_1336 = tpu.dynamic_rotate %select_n3A by %add3A_1335 dim 1 : vector<256x256xf32>, i32 -> vector<256x256xf32>
      %ge3A_1337 = vector.broadcast %add3A_1335 : i32 to vector<256x256xi32>
      %ge3A_1338 = arith.cmpi sge, %iota3A, %ge3A_1337 : vector<256x256xi32>
      %gt3A_1339 = arith.cmpf ogt, %roll3A_1336, %select_n3A : vector<256x256xf32>
      %eq3A_1340 = arith.cmpf oeq, %roll3A_1336, %select_n3A : vector<256x256xf32>
      %and3A_1341 = arith.andi %eq3A_1340, %ge3A_1338 : vector<256x256xi1>
      %or3A_1342 = arith.ori %gt3A_1339, %and3A_1341 : vector<256x256xi1>
      %convert_element_type3A_1343 = arith.extui %or3A_1342 : vector<256x256xi1> to vector<256x256xi32>
      %add3A_1344 = arith.addi %add3A_1325, %convert_element_type3A_1343 : vector<256x256xi32>
      %sub3A_1345 = arith.subf %roll3A_1336, %select_n3A : vector<256x256xf32>
      %exp3A_1346 = math.exp %sub3A_1345 : vector<256x256xf32>
      %jit3A_1347 = arith.constant 0.000000e+00 : f32
      %broadcast_in_dim3A_1348 = vector.broadcast %jit3A_1347 : f32 to vector<256x256xf32>
      %select_n3A_1349 = arith.select %or3A_1342, %broadcast_in_dim3A_1348, %exp3A_1346 : vector<256x256xi1>, vector<256x256xf32>
      %add3A_1350 = arith.addf %add3A_1331, %select_n3A_1349 : vector<256x256xf32>
      %mul3A_1351 = arith.constant 64 : i32
      %mul3A_1352 = arith.muli %scan3A_156, %mul3A_1351 : i32
      %add3A_1353 = arith.constant 63 : i32
      %add3A_1354 = arith.addi %mul3A_1352, %add3A_1353 : i32
      %roll3A_1355 = tpu.dynamic_rotate %select_n3A by %add3A_1354 dim 1 : vector<256x256xf32>, i32 -> vector<256x256xf32>
      %ge3A_1356 = vector.broadcast %add3A_1354 : i32 to vector<256x256xi32>
      %ge3A_1357 = arith.cmpi sge, %iota3A, %ge3A_1356 : vector<256x256xi32>
      %gt3A_1358 = arith.cmpf ogt, %roll3A_1355, %select_n3A : vector<256x256xf32>
      %eq3A_1359 = arith.cmpf oeq, %roll3A_1355, %select_n3A : vector<256x256xf32>
      %and3A_1360 = arith.andi %eq3A_1359, %ge3A_1357 : vector<256x256xi1>
      %or3A_1361 = arith.ori %gt3A_1358, %and3A_1360 : vector<256x256xi1>
      %convert_element_type3A_1362 = arith.extui %or3A_1361 : vector<256x256xi1> to vector<256x256xi32>
      %add3A_1363 = arith.addi %add3A_1344, %convert_element_type3A_1362 : vector<256x256xi32>
      %sub3A_1364 = arith.subf %roll3A_1355, %select_n3A : vector<256x256xf32>
      %exp3A_1365 = math.exp %sub3A_1364 : vector<256x256xf32>
      %jit3A_1366 = arith.constant 0.000000e+00 : f32
      %broadcast_in_dim3A_1367 = vector.broadcast %jit3A_1366 : f32 to vector<256x256xf32>
      %select_n3A_1368 = arith.select %or3A_1361, %broadcast_in_dim3A_1367, %exp3A_1365 : vector<256x256xi1>, vector<256x256xf32>
      %add3A_1369 = arith.addf %add3A_1350, %select_n3A_1368 : vector<256x256xf32>
      scf.yield %add3A_1363, %add3A_1369 : vector<256x256xi32>, vector<256x256xf32>
    }
    %scan3A_113 = arith.constant 4 : i32
    %add3A_114 = arith.constant 1.000000e+00 : f32
    %add3A_115 = vector.broadcast %add3A_114 : f32 to vector<256x256xf32>
    %add3A_116 = arith.addf %add3A_115, %scan3A_112#1 : vector<256x256xf32>
    %log3A_117 = math.log %add3A_116 : vector<256x256xf32>
    %neg3A = arith.constant 0.000000e+00 : f32
    %neg3A_118 = vector.broadcast %neg3A : f32 to vector<256x256xf32>
    %neg3A_119 = arith.subf %neg3A_118, %log3A_117 : vector<256x256xf32>
    %gt3A = arith.constant -1.000000e+08 : f32
    %gt3A_120 = vector.broadcast %gt3A : f32 to vector<256x256xf32>
    %gt3A_121 = arith.cmpf ogt, %select_n3A, %gt3A_120 : vector<256x256xf32>
    %and3A = arith.andi %lt3A_104, %gt3A_121 : vector<256x256xi1>
    %jit3A_122 = arith.constant 1 : i32
    %jit3A_123 = arith.constant 0 : i32
    %broadcast_in_dim3A_124 = vector.broadcast %jit3A_122 : i32 to vector<256x256xi32>
    %broadcast_in_dim3A_125 = vector.broadcast %jit3A_123 : i32 to vector<256x256xi32>
    %select_n3A_126 = arith.select %and3A, %broadcast_in_dim3A_124, %broadcast_in_dim3A_125 : vector<256x256xi1>, vector<256x256xi32>
    %reduce_sum3A = arith.constant dense<0> : vector<256xi32>
    %reduce_sum3A_127 = vector.multi_reduction <add>, %select_n3A_126, %reduce_sum3A [1] : vector<256x256xi32> to vector<256xi32>
    %broadcast_in_dim3A_128 = vector.shape_cast %reduce_sum3A_127 : vector<256xi32> to vector<256x1xi32>
    %jit3A_129 = arith.constant 1024 : i32
    %broadcast_in_dim3A_130 = vector.broadcast %jit3A_129 : i32 to vector<256x256xi32>
    %select_n3A_131 = arith.select %and3A, %iota3A, %broadcast_in_dim3A_130 : vector<256x256xi1>, vector<256x256xi32>
    %reduce_min3A = arith.constant dense<2147483647> : vector<256xi32>
    %reduce_min3A_132 = vector.multi_reduction <minsi>, %select_n3A_131, %reduce_min3A [1] : vector<256x256xi32> to vector<256xi32>
    %broadcast_in_dim3A_133 = vector.shape_cast %reduce_min3A_132 : vector<256xi32> to vector<256x1xi32>
    %lt3A_134 = arith.constant -1.000000e+08 : f32
    %lt3A_135 = vector.broadcast %lt3A_134 : f32 to vector<256x256xf32>
    %lt3A_136 = arith.cmpf olt, %select_n3A, %lt3A_135 : vector<256x256xf32>
    %convert_element_type3A_137 = arith.sitofp %broadcast_in_dim3A_128 : vector<256x1xi32> to vector<256x1xf32>
    %log3A_138 = math.log %convert_element_type3A_137 : vector<256x1xf32>
    %neg3A_139 = arith.constant 0.000000e+00 : f32
    %neg3A_140 = vector.broadcast %neg3A_139 : f32 to vector<256x1xf32>
    %neg3A_141 = arith.subf %neg3A_140, %log3A_138 : vector<256x1xf32>
    %broadcast_in_dim3A_142 = vector.shape_cast %neg3A_141 : vector<256x1xf32> to vector<256x1xf32>
    %broadcast_in_dim3A_143 = vector.broadcast %broadcast_in_dim3A_142 : vector<256x1xf32> to vector<256x256xf32>
    %select_n3A_144 = arith.select %lt3A_136, %broadcast_in_dim3A_143, %neg3A_119 : vector<256x256xi1>, vector<256x256xf32>
    %broadcast_in_dim3A_145 = vector.shape_cast %broadcast_in_dim3A_133 : vector<256x1xi32> to vector<256x1xi32>
    %broadcast_in_dim3A_146 = vector.broadcast %broadcast_in_dim3A_145 : vector<256x1xi32> to vector<256x256xi32>
    %select_n3A_147 = arith.select %lt3A_136, %broadcast_in_dim3A_146, %iota3A : vector<256x256xi1>, vector<256x256xi32>
    %swap3A = arith.constant 0 : index
    %swap3A_148 = arith.constant 0 : index
    %swap3A_149 = vector.load %arg5[%swap3A, %swap3A_148] : memref<256x256xf32, #tpu.memory_space<vmem>>, vector<256x256xf32>
    tpu.vector_store %arg5[%swap3A, %swap3A_148], %select_n3A_144 {strides = array<i32>} : memref<256x256xf32, #tpu.memory_space<vmem>>, vector<256x256xf32>,
    %swap3A_150 = arith.constant 0 : index
    %swap3A_151 = arith.constant 0 : index
    %swap3A_152 = vector.load %arg6[%swap3A_150, %swap3A_151] : memref<256x256xi32, #tpu.memory_space<vmem>>, vector<256x256xi32>
    tpu.vector_store %arg6[%swap3A_150, %swap3A_151], %scan3A_112#0 {strides = array<i32>} : memref<256x256xi32, #tpu.memory_space<vmem>>, vector<256x256xi32>,
    %swap3A_153 = arith.constant 0 : index
    %swap3A_154 = arith.constant 0 : index
    %swap3A_155 = vector.load %arg7[%swap3A_153, %swap3A_154] : memref<256x256xi32, #tpu.memory_space<vmem>>, vector<256x256xi32>
    tpu.vector_store %arg7[%swap3A_153, %swap3A_154], %select_n3A_147 {strides = array<i32>} : memref<256x256xi32, #tpu.memory_space<vmem>>, vector<256x256xi32>,
    return
  }
  func.func @transform_0(%arg0: i32) -> i32 {
    %c0_i32 = arith.constant 0 : i32
    %c0_i32_0 = arith.constant 0 : i32
    return %c0_i32 : i32
  }
  func.func @transform_1(%arg0: i32) -> i32 {
    %c0_i32 = arith.constant 0 : i32
    %c0_i32_0 = arith.constant 0 : i32
    return %c0_i32 : i32
  }
  func.func @transform_2(%arg0: i32) -> (i32, i32) {
    %c0_i32 = arith.constant 0 : i32
    %c0_i32_0 = arith.constant 0 : i32
    return %arg0, %c0_i32 : i32, i32
  }
  func.func @transform_3(%arg0: i32) -> (i32, i32) {
    %c0_i32 = arith.constant 0 : i32
    %c0_i32_0 = arith.constant 0 : i32
    return %arg0, %c0_i32 : i32, i32
  }
  func.func @transform_4(%arg0: i32) -> (i32, i32) {
    %c0_i32 = arith.constant 0 : i32
    %c0_i32_0 = arith.constant 0 : i32
    return %arg0, %c0_i32 : i32, i32
  }
  func.func @transform_5(%arg0: i32) -> (i32, i32) {
    %c0_i32 = arith.constant 0 : i32
    %c0_i32_0 = arith.constant 0 : i32
    return %arg0, %c0_i32 : i32, i32
  }
  func.func @transform_6(%arg0: i32) -> (i32, i32) {
    %c0_i32 = arith.constant 0 : i32
    %c0_i32_0 = arith.constant 0 : i32
    return %arg0, %c0_i32 : i32, i32
  }
}

</mosaic_0001>

<sc_bundles>
// kernel: kernel.4.cloned.1.call-start
scs
__scs_entry_jumppad:
0x0: {  	(pc) =	sbr.rel $0x88, $3  }
0x1: {  	(tag) =	ssettag $0x0;
	lr =	simm.s32 $0x1  }
0x2: {  	[smem:$0x3F9E] =	sst lr;
	_ =	strace $0xD0000000  }
0x3: {  	_ = 	snop  }
0x4: {  	_ = 	snop  }
0x5: {  	_ = 	snop  }
0x6: {  	_ = 	snop  }
0x7: {  	_ = 	snop  }
__scs_overlays_trampoline_lowered:
0x8: {  	[smem:$0x3FAD] =	sst s0  }
0x9: {  	[smem:$0x3FAE] =	sst s1  }
0xa: {  	[smem:$0x3FAF] =	sst s2  }
0xb: {  	[smem:$0x3FB0] =	sst s3  }
0xc: {  	[smem:$0x3FB1] =	sst s4  }
0xd: {  	[smem:$0x3FB2] =	sst s5  }
0xe: {  	[smem:$0x3FB3] =	sst s6  }
0xf: {  	[smem:$0x3FB4] =	sst s7  }
0x10: {  	[smem:$0x3FB5] =	sst s8  }
0x11: {  	[smem:$0x3FB6] =	sst s9;
	s0 =	simm.s32 @!p0 $0x0  }
0x12: {  	s1 =	sld [smem:$0x3F9C];
	s0 =	simm.s32 @p0 $0x1  }
0x13: {  	[smem:$0x3FB7] =	sst s0;
	s0 =	simm.s32 @!p1 $0x0  }
0x14: {  	s2 =	sld [smem:$0x3F9B];
	s0 =	simm.s32 @p1 $0x1  }
0x15: {  	[smem:$0x3FB8] =	sst s0;
	s0 =	simm.s32 @!p2 $0x0  }
0x16: {  	s3 =	sld [smem:$0x3FDB];
	s0 =	simm.s32 @p2 $0x1  }
0x17: {  	s4 =	simm.s32 $0x1BF5;
	[smem:$0x3FBA] =	sst s0  }
0x18: {  	s0 =	sld [smem:$0x3F9D];
	_ =	swait.ge [sflag:s4], $0x0  }
0x19: {  	s7 =	sld [smem:$0x3F9E]  }
0x1a: {  	s8 =	sadd.s32 $0xFFFFE003, lr  }
0x1b: {  	s9 =	sadd.s32 $0xFFFFFEF7, lr;
	s5 =	simm.s32 $0xFFFFFFFF;
	p2 =	slt.u32 s8, $0xFFFFF086  }
0x1c: {  	p1 =	slt.u32 s9, $0xF7A;
	s5 =	simm.s32 @!p2 $0x0  }
0x1d: {  	s5 =	simm.s32 @p1 $0x1;
	p0 =	seq.s32 s7, s2  }
0x1e: {  	s7 =	smul.u32 @!p0 $0xF7A, s2;
	p2 =	seq.s32 @!p0 s5, $0x0  }
0x1f: {  	s9 =	smul.u32 $0xF7A, s1;
	s8 =	simm.s32 @!p0 $0x1BF5;
	p2 =	por !p2, p0  }
0x20: {  	[sflag:s8] =	ssyncset.s32 @!p0 $0xFFFFF086;
	s6 =	sadd.s32 @!p0 s3, s7;
	s7 =	simm.s32 @!p0 $0x108  }
0x21: {  	s3 =	sadd.s32 s3, s9;
	s6 =	sadd.s32 @!p0 $0x88, s6;
	s7 =	simm.s32 @p2 $0x1082  }
0x22: {  	[simem:s7], [sflag:s8] =	dma.local @!p0 [hbm:s6], $0xF7A  }
0x23: {  	s9 =	sor.u32 $0xD0000000, s2;
	s6 =	simm.s32 $0x108;
	_ =	swait.ge @!p0 [sflag:s8], $0x0  }
0x24: {  	s3 =	sadd.s32 $0x88, s3;
	s6 =	simm.s32 @!p1 $0x1082;
	[sflag:s4] =	ssyncset.s32 $0xFFFFF086  }
0x25: {  	[simem:s6], [sflag:s4] =	dma.local [hbm:s3], $0xF7A  }
0x26: {  	[smem:$0x3F9E] =	sst s1;
	(tag) =	ssettag s2;
	_ =	strace s9  }
0x27: {  	s1 =	sld [smem:$0x3FAE]  }
0x28: {  	s2 =	sld [smem:$0x3FAF]  }
0x29: {  	s4 =	sld [smem:$0x3FB1]  }
0x2a: {  	p0 =	seq.s32 s5, $0x0;
	s5 =	sld [smem:$0x3FB2]  }
0x2b: {  	s6 =	sld [smem:$0x3FB3]  }
0x2c: {  	s7 =	sld [smem:$0x3FB4]  }
0x2d: {  	s3 =	simm.s32 $0x108;
	s8 =	sld [smem:$0x3FB5]  }
0x2e: {  	s3 =	simm.s32 @!p0 $0x1082;
	s9 =	sld [smem:$0x3FB6]  }
0x2f: {  	lr =	sadd.s32 s0, s3;
	s0 =	sld [smem:$0x3FAD]  }
0x30: {  	s3 =	sld [smem:$0x3FB0]  }
0x31: {  	[smem:$0x3FB9] =	sst s10  }
0x32: {  	s10 =	sld [smem:$0x3FB7];
	_ =	sdelay $0x3  }
0x33: {  	p0 =	seq.s32 s10, $0x1;
	s10 =	sld [smem:$0x3FB9];
	_ =	sdelay $0x3  }
0x34: {  	[smem:$0x3FB9] =	sst s10  }
0x35: {  	s10 =	sld [smem:$0x3FB8];
	_ =	sdelay $0x3  }
0x36: {  	p1 =	seq.s32 s10, $0x1;
	s10 =	sld [smem:$0x3FB9];
	_ =	sdelay $0x3  }
0x37: {  	[smem:$0x3FB9] =	sst s10  }
0x38: {  	s10 =	sld [smem:$0x3FBA]  }
0x39: {  	_ = 	snop;
	(pc) =	sbr.ind lr, $3  }
0x3a: {  	_ = 	snop  }
0x3b: {  	_ = 	snop  }
0x3c: {  	p2 =	seq.s32 s10, $0x1;
	s10 =	sld [smem:$0x3FB9]  }
0x3d: {  	_ =	shalt  }
0x3e: {  	_ =	shalt  }
0x3f: {  	_ =	shalt  }
0x40: {  	_ =	shalt  }
0x41: {  	_ =	shalt  }
0x42: {  	_ =	shalt  }
0x43: {  	_ =	shalt  }
0x44: {  	_ =	shalt  }
0x45: {  	_ =	shalt  }
0x46: {  	_ =	shalt  }
0x47: {  	_ =	shalt  }
0x48: {  	_ =	shalt  }
0x49: {  	_ =	shalt  }
0x4a: {  	_ =	shalt  }
0x4b: {  	_ =	shalt  }
0x4c: {  	_ =	shalt  }
0x4d: {  	_ =	shalt  }
0x4e: {  	_ =	shalt  }
0x4f: {  	_ =	shalt  }
0x50: {  	_ =	shalt  }
0x51: {  	_ =	shalt  }
0x52: {  	_ =	shalt  }
0x53: {  	_ =	shalt  }
0x54: {  	_ =	shalt  }
0x55: {  	_ =	shalt  }
0x56: {  	_ =	shalt  }
0x57: {  	_ =	shalt  }
0x58: {  	_ =	shalt  }
0x59: {  	_ =	shalt  }
0x5a: {  	_ =	shalt  }
0x5b: {  	_ =	shalt  }
0x5c: {  	_ =	shalt  }
0x5d: {  	_ =	shalt  }
0x5e: {  	_ =	shalt  }
0x5f: {  	_ =	shalt  }
0x60: {  	_ =	shalt  }
0x61: {  	_ =	shalt  }
0x62: {  	_ =	shalt  }
0x63: {  	_ =	shalt  }
0x64: {  	_ =	shalt  }
0x65: {  	_ =	shalt  }
0x66: {  	_ =	shalt  }
0x67: {  	_ =	shalt  }
0x68: {  	_ =	shalt  }
0x69: {  	_ =	shalt  }
0x6a: {  	_ =	shalt  }
0x6b: {  	_ =	shalt  }
0x6c: {  	_ =	shalt  }
0x6d: {  	_ =	shalt  }
0x6e: {  	_ =	shalt  }
0x6f: {  	_ =	shalt  }
0x70: {  	_ =	shalt  }
0x71: {  	_ =	shalt  }
0x72: {  	_ =	shalt  }
0x73: {  	_ =	shalt  }
0x74: {  	_ =	shalt  }
0x75: {  	_ =	shalt  }
0x76: {  	_ =	shalt  }
0x77: {  	_ =	shalt  }
0x78: {  	_ =	shalt  }
0x79: {  	_ =	shalt  }
0x7a: {  	_ =	shalt  }
0x7b: {  	_ =	shalt  }
0x7c: {  	_ =	shalt  }
0x7d: {  	_ =	shalt  }
0x7e: {  	_ =	shalt  }
0x7f: {  	_ =	shalt  }
0x80: {  	_ =	shalt  }
0x81: {  	_ =	shalt  }
0x82: {  	_ =	shalt  }
0x83: {  	_ =	shalt  }
0x84: {  	_ =	shalt  }
0x85: {  	_ =	shalt  }
0x86: {  	_ =	shalt  }
0x87: {  	_ =	shalt  }
.Lfunc_end0:
.L_simem_size_0:
called_computation_lowered:
.L_overlay_start_0:
0x88: {  	s2 =	sld [smem:$0x3FD9]  }
0x89: {  	s3 =	sld [smem:$0x3FFE];
	_ =	sdelay $0x1  }
0x8a: {  	s1 =	srdreg.scid  }
0x8b: {  	s0 =	sand.u32 $0x1, s1  }
0x8c: {  	s16 =	sshll.u32 s0, $0xA;
	s2 =	sadd.s32 s3, s2  }
0x8d: {  	s2 =	sadd.s32 s2, s16  }
0x8e: {  	[smem:$0x3FC5] =	sst s2  }
0x8f: {  	_ = 	snop  }
0x90: {  	(tm) =	ssettm $0x1  }
0x91: {  	s17 =	sld [smem:$0x3FFB];
	_ =	sdelay $0x3  }
0x92: {  	_ =	strace s17  }
0x93: {  	s2 =	sld [smem:$0x3FFC];
	_ =	sdelay $0x3  }
0x94: {  	_ =	strace s2  }
0x95: {  	s2 =	sld [smem:$0x3FFD];
	_ =	sdelay $0x3  }
0x96: {  	_ =	strace s2  }
0x97: {  	_ =	strace $0x8FFFFFFF  }
0x98: {  	s18 =	sld [smem:$0x3FDB];
	_ =	sdelay $0x1  }
0x99: {  	s19 =	simm.s32 $_scs_section_size  }
0x9a: {  	s4 =	simm.s32 $_size__tile_overlayer_lowered;
	s5 =	simm.s32 $_tile_overlayer_lowered  }
0x9b: {  	s22 =	simm.s32 $0x1BFF;
	s21 =	sshll.u32 s5, $0x1;
	s2 =	sadd.s32 s19, s18  }
0x9c: {  	s6 =	simm.s32 $0x0;
	s20 =	sshll.u32 s4, $0x1;
	s4 =	sadd.s32 s21, s2  }
0x9d: {  	[timem:s6], [sflag:s22] =	dma.local [hbm:s4], s20  }
0x9e: {  	_ =	swait.ge [sflag:s22], s20  }
0x9f: {  	s3 =	ssub.s32 $0x0, s20;
	[sflag:s22] =	ssyncset.done $0x0  }
0xa0: {  	[sflag:s22] =	ssyncadd.s32 s3;
	_ =	sdelay $0x1  }
0xa1: {  	s23 =	simm.s32 $0x1B8B  }
0xa2: {  	_ =	swait.ge [sflag:s23], $0x1  }
0xa3: {  	[sflag:s23] =	ssyncset.done $0x0  }
0xa4: {  	s25 =	simm.s32 $0x1B8E;
	s24 =	sld [smem:$0x3FFE];
	[sflag:s23] =	ssyncadd.s32 $0xFFFFFFFF  }
0xa5: {  	s26 =	simm.s32 $execute0_lowered;
	[smem:$0x3FD2] =	sst s25  }
0xa6: {  	s4 =	sshll.u32 s26, $0x1;
	_ =	strace $0x80000046;
	[dreg:$0x1] =	wrdreg $0xFFFFFFFF  }
0xa7: {  	s28 =	simm.s32 $_size_execute0_lowered;
	s2 =	sadd.s32 s2, s4;
	[dreg:$0x0] =	wrdreg $0x0  }
0xa8: {  	s4 =	sshll.u32 s28, $0x1;
	[dreg:$0x2] =	wrdreg s2  }
0xa9: {  	[dreg:$0x3] =	wrdreg s4  }
0xaa: {  	[dreg:$0x4] =	wrdreg $0xC0  }
0xab: {  	_ =	task [dreg:s6], $0x5FFFF  }
0xac: {  	[dreg:$0x1] =	wrdreg $0xFFFFFFFF  }
0xad: {  	[dreg:$0x0] =	wrdreg $0x60  }
0xae: {  	[dreg:$0x2] =	wrdreg s24  }
0xaf: {  	[dreg:$0x3] =	wrdreg $0x9  }
0xb0: {  	_ =	task.clear_ibuf [dreg:s6], $0x4FFFF;
	_ =	strace $0x90000046  }
0xb1: {  	s29 =	simm.s32 $0x9;
	_ =	strace $0x80000048  }
0xb2: {  	_ =	swait.ge [sflag:s29], $0x1  }
0xb3: {  	[sflag:s29] =	ssyncadd.s32 $0xFFFFFFFF  }
0xb4: {  	_ =	strace $0x90000048  }
0xb5: {  	_ =	sfence  }
0xb6: {  	s30 =	sld [smem:$0x0];
	_ =	sdelay $0x2  }
0xb7: {  	s31 =	sshll.u32 s1, $0xD;
	s1 =	sshrl.u32 s1, $0x2  }
0xb8: {  	s3 =	sand.u32 $0x4000, s31;
	s1 =	sadd.s32 s1, s30  }
0xb9: {  	s0 =	sor.u32 s3, s0;
	s1 =	sshll.u32 s1, $0x11  }
0xba: {  	s0 =	sor.u32 s1, s0  }
0xbb: {  	s0 =	sadd.s32 $0x8F2B, s0  }
0xbc: {  	[sflag:s0] =	ssyncadd.remote.s32 $0x1  }
0xbd: {  	_ =	sfence.sel $0xFFFF  }
0xbe: {  	[dreg:$0x0] =	wrdreg $0xFFFFFFFF;
	(pc) =	sbr.abs _section_cstart, $3  }
0xbf: {  	[dreg:$0x1] =	wrdreg $0xFFFFFFFF  }
0xc0: {  	_ =	task.clear_ibuf [dreg:s6], $0x2FFFF;
	_ =	strace $0x9FFFFFFF  }
0xc1: {  	(tm) =	ssettm $0x7FFFFFFF  }
tec
execute0_lowered:
.L_overlay_start_1:
0x0: {  	(tag) =	ssettag $0x1  }
0x1: {  	s3 =	rddreg [dreg:$0x0]  }
0x2: {  	s0 =	rddreg [dreg:$0x1];
	s4 =	srdreg.scid  }
0x3: {  	s2 =	simm.s32 $0x0;
	s1 =	stileid.u32;
	s9 =	simm.s32 $0x1  }
0x4: {  	s10 =	simm.s32 $0x2000;
	s11 =	simm.s32 $0x4000;
	s12 =	simm.s32 $0x6000  }
0x5: {  	s13 =	simm.s32 $0x8000;
	s14 =	simm.s32 $0x0;
	s4 =	sand.u32 $0x1, s4  }
0x6: {  	s5 =	sshll.u32 s1, $0xB;
	s6 =	sshll.u32 s4, $0xA;
	s4 =	ssub.s32 $0x2, s4  }
0x7: {  	[smem:$0x7FF] =	sst s2;
	s5 =	sor.u32 s6, s5;
	s31 =	sshrl.u32 s4, $0x1  }
0x8: {  	_ =	strace $0x80000047;
	s7 =	sadd.s32 s5, s3;
	s8 =	ssub.s32 s4, s31  }
0x9: {  	s3 =	sadd.s32 $0xE00, s7;
	s4 =	sadd.s32 $0x8E00, s7;
	s5 =	sadd.s32 $0x10E00, s7  }
0xa: {  	s6 =	sadd.s32 $0x18E00, s7;
	s7 =	sadd.s32 $0x20E00, s7;
	s8 =	smax.u32 s8, $0x1  }
.LBB2_1:
0xb: {  	[tilespmem:s2], [sflag:$0x1] =	stream.linear.gather [hbm4b:s3+s2], $0x2000, $0x38;
	[tilespmem:$0xA000] =	vst v63  }
0xc: {  	_ =	swait.ge [sflag:s9], $0x2000  }
0xd: {  	[sflag:s9] =	ssyncset.done $0x0  }
0xe: {  	[sflag:s9] =	ssyncadd.s32 $0xFFFFE000  }
0xf: {  	[tilespmem:s10], [sflag:$0x1] =	stream.linear.gather [hbm4b:s4+s2], $0x2000, $0x38;
	[tilespmem:$0xA000] =	vst v63  }
0x10: {  	_ =	swait.ge [sflag:s9], $0x2000  }
0x11: {  	[sflag:s9] =	ssyncset.done $0x0  }
0x12: {  	[sflag:s9] =	ssyncadd.s32 $0xFFFFE000  }
0x13: {  	[tilespmem:s11], [sflag:$0x1] =	stream.linear.gather [hbm4b:s5+s2], $0x2000, $0x38;
	[tilespmem:$0xA000] =	vst v63  }
0x14: {  	_ =	swait.ge [sflag:s9], $0x2000  }
0x15: {  	s15 =	simm.s32 $0x80;
	s16 =	simm.s32 $0x4080;
	[sflag:s9] =	ssyncset.done $0x0  }
0x16: {  	s17 =	simm.s32 $0x2080;
	s18 =	simm.s32 $0x0;
	[sflag:s9] =	ssyncadd.s32 $0xFFFFE000  }
.LBB2_2:
0x17: {  	v0 =	vld [tilespmem:s17+$0xFFFFFF80];
	_ =	sdelay $0x4  }
0x18: {  	s19 =	sshll.u32 s18, $0x8;
	v1 =	vand.u32 $0xFFFFFFF8, v0  }
0x19: {  	v0 =	vand.u32 $0x7, v0;
	v1 =	vadd.s32 s19, v1  }
0x1a: {  	v2 =	vld [tilespmem:s15+$0xFFFFFF80];
	v0 =	vor.u32 v0, v1;
	_ =	sdelay $0x4  }
0x1b: {  	[tilespmem:v0+s12+$0x0] =	vst.idx.msk $0xffff, v2  }
0x1c: {  	v33 =	vld [tilespmem:s16+$0xFFFFFF80];
	_ =	sdelay $0x4  }
0x1d: {  	[tilespmem:v0+s13+$0x0] =	vst.idx.msk $0xffff, v33  }
0x1e: {  	v0 =	vld [tilespmem:s17+$0xFFFFFF90];
	_ =	sdelay $0x4  }
0x1f: {  	v34 =	vand.u32 $0xFFFFFFF8, v0  }
0x20: {  	v0 =	vand.u32 $0x7, v0;
	v1 =	vadd.s32 s19, v34  }
0x21: {  	v2 =	vld [tilespmem:s15+$0xFFFFFF90];
	v0 =	vor.u32 v0, v1;
	_ =	sdelay $0x4  }
0x22: {  	[tilespmem:v0+s12+$0x0] =	vst.idx.msk $0xffff, v2  }
0x23: {  	v35 =	vld [tilespmem:s16+$0xFFFFFF90];
	_ =	sdelay $0x4  }
0x24: {  	[tilespmem:v0+s13+$0x0] =	vst.idx.msk $0xffff, v35  }
0x25: {  	v0 =	vld [tilespmem:s17+$0xFFFFFFA0];
	_ =	sdelay $0x4  }
0x26: {  	v36 =	vand.u32 $0xFFFFFFF8, v0  }
0x27: {  	v0 =	vand.u32 $0x7, v0;
	v1 =	vadd.s32 s19, v36  }
0x28: {  	v2 =	vld [tilespmem:s15+$0xFFFFFFA0];
	v0 =	vor.u32 v0, v1;
	_ =	sdelay $0x4  }
0x29: {  	[tilespmem:v0+s12+$0x0] =	vst.idx.msk $0xffff, v2  }
0x2a: {  	v37 =	vld [tilespmem:s16+$0xFFFFFFA0];
	_ =	sdelay $0x4  }
0x2b: {  	[tilespmem:v0+s13+$0x0] =	vst.idx.msk $0xffff, v37  }
0x2c: {  	v0 =	vld [tilespmem:s17+$0xFFFFFFB0];
	_ =	sdelay $0x4  }
0x2d: {  	v38 =	vand.u32 $0xFFFFFFF8, v0  }
0x2e: {  	v0 =	vand.u32 $0x7, v0;
	v1 =	vadd.s32 s19, v38  }
0x2f: {  	v2 =	vld [tilespmem:s15+$0xFFFFFFB0];
	v0 =	vor.u32 v0, v1;
	_ =	sdelay $0x4  }
0x30: {  	[tilespmem:v0+s12+$0x0] =	vst.idx.msk $0xffff, v2  }
0x31: {  	v39 =	vld [tilespmem:s16+$0xFFFFFFB0];
	_ =	sdelay $0x4  }
0x32: {  	[tilespmem:v0+s13+$0x0] =	vst.idx.msk $0xffff, v39  }
0x33: {  	v0 =	vld [tilespmem:s17+$0xFFFFFFC0];
	_ =	sdelay $0x4  }
0x34: {  	v40 =	vand.u32 $0xFFFFFFF8, v0  }
0x35: {  	v0 =	vand.u32 $0x7, v0;
	v1 =	vadd.s32 s19, v40  }
0x36: {  	v2 =	vld [tilespmem:s15+$0xFFFFFFC0];
	v0 =	vor.u32 v0, v1;
	_ =	sdelay $0x4  }
0x37: {  	[tilespmem:v0+s12+$0x0] =	vst.idx.msk $0xffff, v2  }
0x38: {  	v41 =	vld [tilespmem:s16+$0xFFFFFFC0];
	_ =	sdelay $0x4  }
0x39: {  	[tilespmem:v0+s13+$0x0] =	vst.idx.msk $0xffff, v41  }
0x3a: {  	v0 =	vld [tilespmem:s17+$0xFFFFFFD0];
	_ =	sdelay $0x4  }
0x3b: {  	v42 =	vand.u32 $0xFFFFFFF8, v0  }
0x3c: {  	v0 =	vand.u32 $0x7, v0;
	v1 =	vadd.s32 s19, v42  }
0x3d: {  	v2 =	vld [tilespmem:s15+$0xFFFFFFD0];
	v0 =	vor.u32 v0, v1;
	_ =	sdelay $0x4  }
0x3e: {  	[tilespmem:v0+s12+$0x0] =	vst.idx.msk $0xffff, v2  }
0x3f: {  	v43 =	vld [tilespmem:s16+$0xFFFFFFD0];
	_ =	sdelay $0x4  }
0x40: {  	[tilespmem:v0+s13+$0x0] =	vst.idx.msk $0xffff, v43  }
0x41: {  	v0 =	vld [tilespmem:s17+$0xFFFFFFE0];
	_ =	sdelay $0x4  }
0x42: {  	v44 =	vand.u32 $0xFFFFFFF8, v0  }
0x43: {  	v0 =	vand.u32 $0x7, v0;
	v1 =	vadd.s32 s19, v44  }
0x44: {  	v2 =	vld [tilespmem:s15+$0xFFFFFFE0];
	v0 =	vor.u32 v0, v1;
	_ =	sdelay $0x4  }
0x45: {  	[tilespmem:v0+s12+$0x0] =	vst.idx.msk $0xffff, v2  }
0x46: {  	v45 =	vld [tilespmem:s16+$0xFFFFFFE0];
	_ =	sdelay $0x4  }
0x47: {  	[tilespmem:v0+s13+$0x0] =	vst.idx.msk $0xffff, v45  }
0x48: {  	v0 =	vld [tilespmem:s17+$0xFFFFFFF0];
	_ =	sdelay $0x4  }
0x49: {  	v46 =	vand.u32 $0xFFFFFFF8, v0  }
0x4a: {  	v0 =	vand.u32 $0x7, v0;
	v1 =	vadd.s32 s19, v46  }
0x4b: {  	v2 =	vld [tilespmem:s15+$0xFFFFFFF0];
	v0 =	vor.u32 v0, v1;
	_ =	sdelay $0x4  }
0x4c: {  	[tilespmem:v0+s12+$0x0] =	vst.idx.msk $0xffff, v2  }
0x4d: {  	v47 =	vld [tilespmem:s16+$0xFFFFFFF0];
	_ =	sdelay $0x4  }
0x4e: {  	[tilespmem:v0+s13+$0x0] =	vst.idx.msk $0xffff, v47  }
0x4f: {  	v0 =	vld [tilespmem:s17+$0x0];
	_ =	sdelay $0x4  }
0x50: {  	v48 =	vand.u32 $0xFFFFFFF8, v0  }
0x51: {  	v0 =	vand.u32 $0x7, v0;
	v1 =	vadd.s32 s19, v48  }
0x52: {  	v2 =	vld [tilespmem:s15+$0x0];
	v0 =	vor.u32 v0, v1;
	_ =	sdelay $0x4  }
0x53: {  	[tilespmem:v0+s12+$0x0] =	vst.idx.msk $0xffff, v2  }
0x54: {  	v49 =	vld [tilespmem:s16+$0x0];
	_ =	sdelay $0x4  }
0x55: {  	[tilespmem:v0+s13+$0x0] =	vst.idx.msk $0xffff, v49  }
0x56: {  	v0 =	vld [tilespmem:s17+$0x10];
	_ =	sdelay $0x4  }
0x57: {  	v50 =	vand.u32 $0xFFFFFFF8, v0  }
0x58: {  	v0 =	vand.u32 $0x7, v0;
	v1 =	vadd.s32 s19, v50  }
0x59: {  	v2 =	vld [tilespmem:s15+$0x10];
	v0 =	vor.u32 v0, v1;
	_ =	sdelay $0x4  }
0x5a: {  	[tilespmem:v0+s12+$0x0] =	vst.idx.msk $0xffff, v2  }
0x5b: {  	v51 =	vld [tilespmem:s16+$0x10];
	_ =	sdelay $0x4  }
0x5c: {  	[tilespmem:v0+s13+$0x0] =	vst.idx.msk $0xffff, v51  }
0x5d: {  	v0 =	vld [tilespmem:s17+$0x20];
	_ =	sdelay $0x4  }
0x5e: {  	v52 =	vand.u32 $0xFFFFFFF8, v0  }
0x5f: {  	v0 =	vand.u32 $0x7, v0;
	v1 =	vadd.s32 s19, v52  }
0x60: {  	v2 =	vld [tilespmem:s15+$0x20];
	v0 =	vor.u32 v0, v1;
	_ =	sdelay $0x4  }
0x61: {  	[tilespmem:v0+s12+$0x0] =	vst.idx.msk $0xffff, v2  }
0x62: {  	v53 =	vld [tilespmem:s16+$0x20];
	_ =	sdelay $0x4  }
0x63: {  	[tilespmem:v0+s13+$0x0] =	vst.idx.msk $0xffff, v53  }
0x64: {  	v0 =	vld [tilespmem:s17+$0x30];
	_ =	sdelay $0x4  }
0x65: {  	v54 =	vand.u32 $0xFFFFFFF8, v0  }
0x66: {  	v0 =	vand.u32 $0x7, v0;
	v1 =	vadd.s32 s19, v54  }
0x67: {  	v2 =	vld [tilespmem:s15+$0x30];
	v0 =	vor.u32 v0, v1;
	_ =	sdelay $0x4  }
0x68: {  	[tilespmem:v0+s12+$0x0] =	vst.idx.msk $0xffff, v2  }
0x69: {  	v55 =	vld [tilespmem:s16+$0x30];
	_ =	sdelay $0x4  }
0x6a: {  	[tilespmem:v0+s13+$0x0] =	vst.idx.msk $0xffff, v55  }
0x6b: {  	v0 =	vld [tilespmem:s17+$0x40];
	_ =	sdelay $0x4  }
0x6c: {  	v56 =	vand.u32 $0xFFFFFFF8, v0  }
0x6d: {  	v0 =	vand.u32 $0x7, v0;
	v1 =	vadd.s32 s19, v56  }
0x6e: {  	v2 =	vld [tilespmem:s15+$0x40];
	v0 =	vor.u32 v0, v1;
	_ =	sdelay $0x4  }
0x6f: {  	[tilespmem:v0+s12+$0x0] =	vst.idx.msk $0xffff, v2  }
0x70: {  	v57 =	vld [tilespmem:s16+$0x40];
	_ =	sdelay $0x4  }
0x71: {  	[tilespmem:v0+s13+$0x0] =	vst.idx.msk $0xffff, v57  }
0x72: {  	v0 =	vld [tilespmem:s17+$0x50];
	_ =	sdelay $0x4  }
0x73: {  	v58 =	vand.u32 $0xFFFFFFF8, v0  }
0x74: {  	v0 =	vand.u32 $0x7, v0;
	v1 =	vadd.s32 s19, v58  }
0x75: {  	v2 =	vld [tilespmem:s15+$0x50];
	v0 =	vor.u32 v0, v1;
	_ =	sdelay $0x4  }
0x76: {  	[tilespmem:v0+s12+$0x0] =	vst.idx.msk $0xffff, v2  }
0x77: {  	v59 =	vld [tilespmem:s16+$0x50];
	_ =	sdelay $0x4  }
0x78: {  	[tilespmem:v0+s13+$0x0] =	vst.idx.msk $0xffff, v59  }
0x79: {  	v0 =	vld [tilespmem:s17+$0x60];
	_ =	sdelay $0x4  }
0x7a: {  	v60 =	vand.u32 $0xFFFFFFF8, v0  }
0x7b: {  	v0 =	vand.u32 $0x7, v0;
	v1 =	vadd.s32 s19, v60  }
0x7c: {  	v2 =	vld [tilespmem:s15+$0x60];
	v0 =	vor.u32 v0, v1;
	_ =	sdelay $0x4  }
0x7d: {  	[tilespmem:v0+s12+$0x0] =	vst.idx.msk $0xffff, v2  }
0x7e: {  	v61 =	vld [tilespmem:s16+$0x60];
	_ =	sdelay $0x4  }
0x7f: {  	[tilespmem:v0+s13+$0x0] =	vst.idx.msk $0xffff, v61  }
0x80: {  	v0 =	vld [tilespmem:s17+$0x70];
	_ =	sdelay $0x4  }
0x81: {  	v62 =	vand.u32 $0xFFFFFFF8, v0  }
0x82: {  	v0 =	vand.u32 $0x7, v0;
	v1 =	vadd.s32 s19, v62  }
0x83: {  	v2 =	vld [tilespmem:s15+$0x70];
	v0 =	vor.u32 v0, v1;
	_ =	sdelay $0x4  }
0x84: {  	[tilespmem:v0+s12+$0x0] =	vst.idx.msk $0xffff, v2  }
0x85: {  	p0 =	sne.s32 s18, $0x1F;
	v63 =	vld [tilespmem:s16+$0x70]  }
.Ltmp0:
0x86: {  	_ = 	snop;
	(pc) =	sbr.rel @p0 .LBB2_2-.Ltmp0, $3  }
0x87: {  	_ =	sdelay $0x1  }
0x88: {  	s18 =	sadd.s32 $0x1, s18  }
0x89: {  	s15 =	sadd.s32 $0x100, s15;
	s17 =	sadd.s32 $0x100, s17;
	s16 =	sadd.s32 $0x100, s16;
	[tilespmem:v0+s13+$0x0] =	vst.idx.msk $0xffff, v63  }
0x8a: {  	[hbm4b:s6+s2] =	stream.linear.scatter [tilespmem:s12], [sflag:$0x1], $0x2000, $0x38;
	[tilespmem:$0xA000] =	vst v63  }
0x8b: {  	s14 =	sadd.s32 $0x1, s14;
	_ =	swait.ge [sflag:s9], $0x2000  }
0x8c: {  	p0 =	sne.s32 s14, s8;
	[sflag:s9] =	ssyncset.done $0x0  }
.Ltmp1:
0x8d: {  	[sflag:s9] =	ssyncadd.s32 $0xFFFFE000;
	(pc) =	sbr.rel @p0 .LBB2_1-.Ltmp1, $4  }
0x8e: {  	[hbm4b:s7+s2] =	stream.linear.scatter [tilespmem:s13], [sflag:$0x1], $0x2000, $0x38;
	[tilespmem:$0xA000] =	vst v63  }
0x8f: {  	_ =	swait.ge [sflag:s9], $0x2000  }
0x90: {  	[sflag:s9] =	ssyncset.done $0x0  }
0x91: {  	[sflag:s9] =	ssyncadd.s32 $0xFFFFE000  }
0x92: {  	_ =	sfence.sel $0x180000  }
0x93: {  	[bflag:$0x0] =	sbarrier.arrive $0xFFFF  }
0x94: {  	p0 =	sne.s32 s1, $0x0;
	_ =	strace $0x90000047  }
0x95: {  	s0 =	sadd.s32 @!p0 $0x100000, s0;
	[bflag:$0x2] =	sbarrier.arrive $0xFFFF  }
0x96: {  	[sflag:s0] =	ssyncadd.tile.s32 @!p0 $0x1;
	_ =	shalt  }
.Lfunc_end2:
_tile_overlayer_lowered:
.L_overlay_start_2:
0x97: {  	(tag) =	ssettag $0x2  }
0x98: {  	s0 =	rddreg [dreg:$0x0];
	s2 =	stileid.u32  }
0x99: {  	s1 =	rddreg [dreg:$0x1];
	p0 =	sne.s32 s2, $0x0  }
0x9a: {  	s3 =	rddreg [dreg:$0x2];
	[bflag:$0x3] =	sbarrier.arrive $0xFFFF;
	s2 =	simm.s32 @!p0 $0x1C01  }
0x9b: {  	[timem:s3], [sflag:s2] =	dma.local @!p0 [hbm:s0], s1  }
0x9c: {  	s0 =	simm.s32 @!p0 $0x1  }
0x9d: {  	_ =	swait.ge @!p0 [sflag:s0], s1  }
0x9e: {  	s1 =	ssub.s32 @!p0 $0x0, s1;
	[sflag:s0] =	ssyncset.done @!p0 $0x0  }
0x9f: {  	[sflag:s0] =	ssyncadd.s32 @!p0 s1  }
0xa0: {  	[bflag:$0x3] =	sbarrier.arrive $0xFFFF  }
0xa1: {  	_ =	shalt  }

</sc_bundles>
